<compile_context>
chip_gen: v7x
topology: tpu7x:2x2x1
jax: 0.10.2.dev20260603
libtpu: 0.0.44.dev20260713+nightly
codegen_flags: <defaults>
</compile_context>

<pallas_src>
import jax
import jax.numpy as jnp
from jax import lax
from jax.experimental import pallas as pl
from jax.experimental.pallas import tpu as pltpu
from jax.experimental.pallas import tpu_sc as plsc

B, S, D = 4, 8192, 1024
NW = 32
R = 8
S_PER_W = S // NW
SCHUNKS = S_PER_W // R
NBUF = 8


def _sc_body(x_hbm, pe_hbm, out_hbm, pe_bufs, xbufs, pe_sems, lsems, ssems):
    nc = 2
    wid = lax.axis_index("s") * nc + lax.axis_index("c")
    s_base = wid * S_PER_W

    def s0(c):
        return s_base + c * R

    def start_load(c, b, p):
        pltpu.async_copy(x_hbm.at[b, pl.ds(s0(c), R)], xbufs[p], lsems[p])

    def wait_load(c, b, p):
        pltpu.make_async_copy(
            x_hbm.at[b, pl.ds(s0(c), R)], xbufs[p], lsems[p]).wait()

    def start_store(c, b, p):
        pltpu.async_copy(xbufs[p], out_hbm.at[b, pl.ds(s0(c), R)], ssems[p])

    def wait_store(c, b, p):
        pltpu.make_async_copy(
            xbufs[p], out_hbm.at[b, pl.ds(s0(c), R)], ssems[p]).wait()

    def start_pe_load(c, e):
        pltpu.async_copy(pe_hbm.at[pl.ds(s0(c), R)], pe_bufs[e], pe_sems[e])

    def wait_pe_load(c, e):
        pltpu.make_async_copy(
            pe_hbm.at[pl.ds(s0(c), R)], pe_bufs[e], pe_sems[e]).wait()

    start_pe_load(0, 0)
    for b in range(B):
        start_load(0, b, b)

    def chunk_body(c, e):
        wait_pe_load(c, e)

        @pl.when(c < SCHUNKS - 1)
        def _():
            start_pe_load(c + 1, 1 - e)

        for b in range(B):
            mine = 4 * e + b
            other = 4 * (1 - e) + b
            wait_load(c, b, mine)

            @plsc.parallel_loop(0, R, unroll=1)
            def vadd_row(r, _b=b, _e=e):
                @plsc.parallel_loop(0, D // 16, unroll=8)
                def vadd(j):
                    plsc.addupdate(xbufs[4 * _e + _b].at[r, pl.ds(j * 16, 16)],
                                   pe_bufs[_e][r, pl.ds(j * 16, 16)])

            start_store(c, b, mine)

            @pl.when(c < SCHUNKS - 1)
            def _():
                @pl.when(c > 0)
                def _():
                    wait_store(c - 1, b, other)
                start_load(c + 1, b, other)

    def schunk_pair(cc, carry):
        chunk_body(cc * 2, 0)
        chunk_body(cc * 2 + 1, 1)
        return carry

    lax.fori_loop(0, SCHUNKS // 2, schunk_pair, 0)

    for b in range(B):
        wait_store(SCHUNKS - 2, b, b)
        wait_store(SCHUNKS - 1, b, 4 + b)


def kernel(x, pe_weight):
    return pl.kernel(
        _sc_body,
        out_type=jax.ShapeDtypeStruct((B, S, D), jnp.float32),
        mesh=plsc.VectorSubcoreMesh(core_axis_name="c", subcore_axis_name="s"),
        scratch_types=[
            [pltpu.VMEM((R, D), jnp.float32) for _ in range(2)],
            [pltpu.VMEM((R, D), jnp.float32) for _ in range(NBUF)],
            [pltpu.SemaphoreType.DMA for _ in range(2)],
            [pltpu.SemaphoreType.DMA for _ in range(NBUF)],
            [pltpu.SemaphoreType.DMA for _ in range(NBUF)],
        ],
        compiler_params=pltpu.CompilerParams(use_tc_tiling_on_sc=True),
    )(x, pe_weight)

# --- scband reference (transcript-rebuilt; emitter-appended) ---
"""Pipeline reference for scband-learned-positional-encoding-9294309228723 (READ-ONLY COPY).

The authoritative reference and input builder live on the scoring server;
editing this copy changes nothing except your own understanding.
"""

import jax, jax.numpy as jnp
import numpy as np

B, S, D = 4, 8192, 1024
CTX = 8192

def setup_inputs(seed: int = 0) -> dict:
    key = jax.random.key(seed)
    k1, k2 = jax.random.split(key)
    x = jax.random.normal(k1, (B, S, D), dtype=jnp.float32)
    pe_weight = jax.random.normal(k2, (CTX, D), dtype=jnp.float32) * 0.02
    return {"x": x, "pe_weight": pe_weight}

def reference(x, pe_weight):
    S_ = x.shape[1]
    positions = jnp.arange(0, S_)[None, :]  # [1, S]
    pos_emb = jnp.take(pe_weight, positions, axis=0)  # [1, S, D]
    return x + pos_emb

if __name__ == "__main__":
    import jax
    _d = setup_inputs()
    print(jax.jit(kernel)(*tuple(_d.values())))

</pallas_src>

<mosaic_0001>
#map = affine_map<(d0, d1) -> (0, 0, 0)>
#map1 = affine_map<(d0, d1) -> (0, 0)>
module attributes {stable_mosaic.version = 14 : i64} {
  func.func @_sc_body(%arg0: i32, %arg1: i32, %arg2: memref<4x8192x1024xf32, #tpu.memory_space<hbm>>, %arg3: memref<8192x1024xf32, #tpu.memory_space<hbm>>, %arg4: memref<4x8192x1024xf32, #tpu.memory_space<hbm>>, %arg5: memref<8x1024xf32, #tpu.memory_space<vmem>>, %arg6: memref<8x1024xf32, #tpu.memory_space<vmem>>, %arg7: memref<8x1024xf32, #tpu.memory_space<vmem>>, %arg8: memref<8x1024xf32, #tpu.memory_space<vmem>>, %arg9: memref<8x1024xf32, #tpu.memory_space<vmem>>, %arg10: memref<8x1024xf32, #tpu.memory_space<vmem>>, %arg11: memref<8x1024xf32, #tpu.memory_space<vmem>>, %arg12: memref<8x1024xf32, #tpu.memory_space<vmem>>, %arg13: memref<8x1024xf32, #tpu.memory_space<vmem>>, %arg14: memref<8x1024xf32, #tpu.memory_space<vmem>>, %arg15: memref<!tpu.dma_semaphore, #tpu.memory_space<semaphore_mem>>, %arg16: memref<!tpu.dma_semaphore, #tpu.memory_space<semaphore_mem>>, %arg17: memref<!tpu.dma_semaphore, #tpu.memory_space<semaphore_mem>>, %arg18: memref<!tpu.dma_semaphore, #tpu.memory_space<semaphore_mem>>, %arg19: memref<!tpu.dma_semaphore, #tpu.memory_space<semaphore_mem>>, %arg20: memref<!tpu.dma_semaphore, #tpu.memory_space<semaphore_mem>>, %arg21: memref<!tpu.dma_semaphore, #tpu.memory_space<semaphore_mem>>, %arg22: memref<!tpu.dma_semaphore, #tpu.memory_space<semaphore_mem>>, %arg23: memref<!tpu.dma_semaphore, #tpu.memory_space<semaphore_mem>>, %arg24: memref<!tpu.dma_semaphore, #tpu.memory_space<semaphore_mem>>, %arg25: memref<!tpu.dma_semaphore, #tpu.memory_space<semaphore_mem>>, %arg26: memref<!tpu.dma_semaphore, #tpu.memory_space<semaphore_mem>>, %arg27: memref<!tpu.dma_semaphore, #tpu.memory_space<semaphore_mem>>, %arg28: memref<!tpu.dma_semaphore, #tpu.memory_space<semaphore_mem>>, %arg29: memref<!tpu.dma_semaphore, #tpu.memory_space<semaphore_mem>>, %arg30: memref<!tpu.dma_semaphore, #tpu.memory_space<semaphore_mem>>, %arg31: memref<!tpu.dma_semaphore, #tpu.memory_space<semaphore_mem>>, %arg32: memref<!tpu.dma_semaphore, #tpu.memory_space<semaphore_mem>>) attributes {dimension_semantics = [#tpu.dimension_semantics<core_parallel>, #tpu.dimension_semantics<subcore_parallel>], iteration_bounds = array<i64: 2, 16>, scalar_prefetch = 0 : i64, scratch_operands = 28 : i64, tpu.core_type = #tpu.core_type<sc_vector_subcore>, window_params = [{transform_indices = #map}, {transform_indices = #map1}, {transform_indices = #map}]} {
    %mul3A = arith.constant 2 : i32
    %mul3A_0 = arith.muli %arg1, %mul3A : i32
    %add3A = arith.addi %mul3A_0, %arg0 : i32
    %mul3A_1 = arith.constant 256 : i32
    %mul3A_2 = arith.muli %add3A, %mul3A_1 : i32
    %add3A_3 = arith.constant 0 : i32
    %add3A_4 = arith.addi %mul3A_2, %add3A_3 : i32
    %dma_start3A = arith.constant 0 : i32
    %dma_start3A_5 = tpu.memref_slice %arg3[%add3A_4, %dma_start3A] : memref<8192x1024xf32, #tpu.memory_space<hbm>> -> memref<8x1024xf32, #tpu.memory_space<hbm>>
    %dma_start3A_6 = arith.constant 0 : i32
    %dma_start3A_7 = tpu.memref_slice %arg3[%add3A_4, %dma_start3A_6] : memref<8192x1024xf32, #tpu.memory_space<hbm>> -> memref<8x1024xf32, #tpu.memory_space<hbm>>
    tpu.enqueue_dma source(%dma_start3A_7 : memref<8x1024xf32, #tpu.memory_space<hbm>>) target(%arg5 : memref<8x1024xf32, #tpu.memory_space<vmem>>) target_semaphore(%arg15 : memref<!tpu.dma_semaphore, #tpu.memory_space<semaphore_mem>>)
    %add3A_8 = arith.constant 0 : i32
    %add3A_9 = arith.addi %mul3A_2, %add3A_8 : i32
    %dma_start3A_10 = arith.constant 0 : i32
    %dma_start3A_11 = arith.constant 0 : i32
    %dma_start3A_12 = tpu.memref_slice %arg2[%dma_start3A_10, %add3A_9, %dma_start3A_11] : memref<4x8192x1024xf32, #tpu.memory_space<hbm>> -> memref<1x8x1024xf32, #tpu.memory_space<hbm>>
    %dma_start3A_13 = tpu.memref_squeeze %dma_start3A_12 : memref<1x8x1024xf32, #tpu.memory_space<hbm>> -> memref<8x1024xf32, #tpu.memory_space<hbm>>
    %dma_start3A_14 = arith.constant 0 : i32
    %dma_start3A_15 = tpu.memref_slice %arg2[%dma_start3A_10, %add3A_9, %dma_start3A_14] : memref<4x8192x1024xf32, #tpu.memory_space<hbm>> -> memref<1x8x1024xf32, #tpu.memory_space<hbm>>
    %dma_start3A_16 = tpu.memref_squeeze %dma_start3A_15 : memref<1x8x1024xf32, #tpu.memory_space<hbm>> -> memref<8x1024xf32, #tpu.memory_space<hbm>>
    tpu.enqueue_dma source(%dma_start3A_16 : memref<8x1024xf32, #tpu.memory_space<hbm>>) target(%arg7 : memref<8x1024xf32, #tpu.memory_space<vmem>>) target_semaphore(%arg17 : memref<!tpu.dma_semaphore, #tpu.memory_space<semaphore_mem>>)
    %add3A_17 = arith.constant 0 : i32
    %add3A_18 = arith.addi %mul3A_2, %add3A_17 : i32
    %dma_start3A_19 = arith.constant 1 : i32
    %dma_start3A_20 = arith.constant 0 : i32
    %dma_start3A_21 = tpu.memref_slice %arg2[%dma_start3A_19, %add3A_18, %dma_start3A_20] : memref<4x8192x1024xf32, #tpu.memory_space<hbm>> -> memref<1x8x1024xf32, #tpu.memory_space<hbm>>
    %dma_start3A_22 = tpu.memref_squeeze %dma_start3A_21 : memref<1x8x1024xf32, #tpu.memory_space<hbm>> -> memref<8x1024xf32, #tpu.memory_space<hbm>>
    %dma_start3A_23 = arith.constant 0 : i32
    %dma_start3A_24 = tpu.memref_slice %arg2[%dma_start3A_19, %add3A_18, %dma_start3A_23] : memref<4x8192x1024xf32, #tpu.memory_space<hbm>> -> memref<1x8x1024xf32, #tpu.memory_space<hbm>>
    %dma_start3A_25 = tpu.memref_squeeze %dma_start3A_24 : memref<1x8x1024xf32, #tpu.memory_space<hbm>> -> memref<8x1024xf32, #tpu.memory_space<hbm>>
    tpu.enqueue_dma source(%dma_start3A_25 : memref<8x1024xf32, #tpu.memory_space<hbm>>) target(%arg8 : memref<8x1024xf32, #tpu.memory_space<vmem>>) target_semaphore(%arg18 : memref<!tpu.dma_semaphore, #tpu.memory_space<semaphore_mem>>)
    %add3A_26 = arith.constant 0 : i32
    %add3A_27 = arith.addi %mul3A_2, %add3A_26 : i32
    %dma_start3A_28 = arith.constant 2 : i32
    %dma_start3A_29 = arith.constant 0 : i32
    %dma_start3A_30 = tpu.memref_slice %arg2[%dma_start3A_28, %add3A_27, %dma_start3A_29] : memref<4x8192x1024xf32, #tpu.memory_space<hbm>> -> memref<1x8x1024xf32, #tpu.memory_space<hbm>>
    %dma_start3A_31 = tpu.memref_squeeze %dma_start3A_30 : memref<1x8x1024xf32, #tpu.memory_space<hbm>> -> memref<8x1024xf32, #tpu.memory_space<hbm>>
    %dma_start3A_32 = arith.constant 0 : i32
    %dma_start3A_33 = tpu.memref_slice %arg2[%dma_start3A_28, %add3A_27, %dma_start3A_32] : memref<4x8192x1024xf32, #tpu.memory_space<hbm>> -> memref<1x8x1024xf32, #tpu.memory_space<hbm>>
    %dma_start3A_34 = tpu.memref_squeeze %dma_start3A_33 : memref<1x8x1024xf32, #tpu.memory_space<hbm>> -> memref<8x1024xf32, #tpu.memory_space<hbm>>
    tpu.enqueue_dma source(%dma_start3A_34 : memref<8x1024xf32, #tpu.memory_space<hbm>>) target(%arg9 : memref<8x1024xf32, #tpu.memory_space<vmem>>) target_semaphore(%arg19 : memref<!tpu.dma_semaphore, #tpu.memory_space<semaphore_mem>>)
    %add3A_35 = arith.constant 0 : i32
    %add3A_36 = arith.addi %mul3A_2, %add3A_35 : i32
    %dma_start3A_37 = arith.constant 3 : i32
    %dma_start3A_38 = arith.constant 0 : i32
    %dma_start3A_39 = tpu.memref_slice %arg2[%dma_start3A_37, %add3A_36, %dma_start3A_38] : memref<4x8192x1024xf32, #tpu.memory_space<hbm>> -> memref<1x8x1024xf32, #tpu.memory_space<hbm>>
    %dma_start3A_40 = tpu.memref_squeeze %dma_start3A_39 : memref<1x8x1024xf32, #tpu.memory_space<hbm>> -> memref<8x1024xf32, #tpu.memory_space<hbm>>
    %dma_start3A_41 = arith.constant 0 : i32
    %dma_start3A_42 = tpu.memref_slice %arg2[%dma_start3A_37, %add3A_36, %dma_start3A_41] : memref<4x8192x1024xf32, #tpu.memory_space<hbm>> -> memref<1x8x1024xf32, #tpu.memory_space<hbm>>
    %dma_start3A_43 = tpu.memref_squeeze %dma_start3A_42 : memref<1x8x1024xf32, #tpu.memory_space<hbm>> -> memref<8x1024xf32, #tpu.memory_space<hbm>>
    tpu.enqueue_dma source(%dma_start3A_43 : memref<8x1024xf32, #tpu.memory_space<hbm>>) target(%arg10 : memref<8x1024xf32, #tpu.memory_space<vmem>>) target_semaphore(%arg20 : memref<!tpu.dma_semaphore, #tpu.memory_space<semaphore_mem>>)
    %scan3A = arith.constant 0 : i32
    %scan3A_44 = arith.constant 0 : i32
    %scan3A_45 = arith.constant 16 : i32
    %scan3A_46 = arith.addi %scan3A_44, %scan3A_45 : i32
    %scan3A_47 = arith.constant 1 : i32
    scf.for %scan3A_120 = %scan3A_44 to %scan3A_46 step %scan3A_47  : i32 {
      %mul3A_121 = arith.constant 2 : i32
      %mul3A_122 = arith.muli %scan3A_120, %mul3A_121 : i32
      %mul3A_123 = arith.constant 8 : i32
      %mul3A_124 = arith.muli %mul3A_122, %mul3A_123 : i32
      %add3A_125 = arith.addi %mul3A_2, %mul3A_124 : i32
      %dma_wait3A_126 = arith.constant 0 : i32
      %dma_wait3A_127 = tpu.memref_slice %arg3[%add3A_125, %dma_wait3A_126] : memref<8192x1024xf32, #tpu.memory_space<hbm>> -> memref<8x1024xf32, #tpu.memory_space<hbm>>
      %dma_wait3A_128 = arith.constant 0 : i32
      %dma_wait3A_129 = tpu.memref_slice %arg3[%add3A_125, %dma_wait3A_128] : memref<8192x1024xf32, #tpu.memory_space<hbm>> -> memref<8x1024xf32, #tpu.memory_space<hbm>>
      tpu.wait_dma2 semaphore(%arg15 : memref<!tpu.dma_semaphore, #tpu.memory_space<semaphore_mem>>) src(%dma_wait3A_129 : memref<8x1024xf32, #tpu.memory_space<hbm>>) dst(%arg5 : memref<8x1024xf32, #tpu.memory_space<vmem>>)
      %lt3A = arith.constant 31 : i32
      %lt3A_130 = arith.cmpi slt, %mul3A_122, %lt3A : i32
      %convert_element_type3A = arith.extui %lt3A_130 : i1 to i32
      %cond3A = arith.constant 0 : i32
      %cond3A_131 = arith.cmpi ne, %convert_element_type3A, %cond3A : i32
      scf.if %cond3A_131 {
        %add3A_371 = arith.constant 1 : i32
        %add3A_372 = arith.addi %mul3A_122, %add3A_371 : i32
        %mul3A_373 = arith.constant 8 : i32
        %mul3A_374 = arith.muli %add3A_372, %mul3A_373 : i32
        %add3A_375 = arith.addi %mul3A_2, %mul3A_374 : i32
        %dma_start3A_376 = arith.constant 0 : i32
        %dma_start3A_377 = tpu.memref_slice %arg3[%add3A_375, %dma_start3A_376] : memref<8192x1024xf32, #tpu.memory_space<hbm>> -> memref<8x1024xf32, #tpu.memory_space<hbm>>
        %dma_start3A_378 = arith.constant 0 : i32
        %dma_start3A_379 = tpu.memref_slice %arg3[%add3A_375, %dma_start3A_378] : memref<8192x1024xf32, #tpu.memory_space<hbm>> -> memref<8x1024xf32, #tpu.memory_space<hbm>>
        tpu.enqueue_dma source(%dma_start3A_379 : memref<8x1024xf32, #tpu.memory_space<hbm>>) target(%arg6 : memref<8x1024xf32, #tpu.memory_space<vmem>>) target_semaphore(%arg16 : memref<!tpu.dma_semaphore, #tpu.memory_space<semaphore_mem>>)
      } else {
      }
      %mul3A_132 = arith.constant 8 : i32
      %mul3A_133 = arith.muli %mul3A_122, %mul3A_132 : i32
      %add3A_134 = arith.addi %mul3A_2, %mul3A_133 : i32
      %dma_wait3A_135 = arith.constant 0 : i32
      %dma_wait3A_136 = arith.constant 0 : i32
      %dma_wait3A_137 = tpu.memref_slice %arg2[%dma_wait3A_135, %add3A_134, %dma_wait3A_136] : memref<4x8192x1024xf32, #tpu.memory_space<hbm>> -> memref<1x8x1024xf32, #tpu.memory_space<hbm>>
      %dma_wait3A_138 = tpu.memref_squeeze %dma_wait3A_137 : memref<1x8x1024xf32, #tpu.memory_space<hbm>> -> memref<8x1024xf32, #tpu.memory_space<hbm>>
      %dma_wait3A_139 = arith.constant 0 : i32
      %dma_wait3A_140 = tpu.memref_slice %arg2[%dma_wait3A_135, %add3A_134, %dma_wait3A_139] : memref<4x8192x1024xf32, #tpu.memory_space<hbm>> -> memref<1x8x1024xf32, #tpu.memory_space<hbm>>
      %dma_wait3A_141 = tpu.memref_squeeze %dma_wait3A_140 : memref<1x8x1024xf32, #tpu.memory_space<hbm>> -> memref<8x1024xf32, #tpu.memory_space<hbm>>
      tpu.wait_dma2 semaphore(%arg17 : memref<!tpu.dma_semaphore, #tpu.memory_space<semaphore_mem>>) src(%dma_wait3A_141 : memref<8x1024xf32, #tpu.memory_space<hbm>>) dst(%arg7 : memref<8x1024xf32, #tpu.memory_space<vmem>>)
      %parallel_loop3A = arith.constant 0 : i32
      %parallel_loop3A_142 = arith.constant 8 : i32
      %parallel_loop3A_143 = arith.constant 1 : i32
      scf.for %parallel_loop3A_371 = %parallel_loop3A to %parallel_loop3A_142 step %parallel_loop3A_143  : i32 {
        %parallel_loop3A_372 = arith.constant 0 : i32
        %parallel_loop3A_373 = arith.constant 64 : i32
        %parallel_loop3A_374 = arith.constant 1 : i32
        scf.for %parallel_loop3A_375 = %parallel_loop3A_372 to %parallel_loop3A_373 step %parallel_loop3A_374  : i32 {
          %parallel_loop3A_376 = arith.constant 16 : i32
          %parallel_loop3A_377 = arith.muli %parallel_loop3A_375, %parallel_loop3A_376 : i32
          %parallel_loop3A_378 = arith.constant 16 : i32
          %parallel_loop3A_379 = arith.muli %parallel_loop3A_375, %parallel_loop3A_378 : i32
          %parallel_loop3A_380 = arith.index_cast %parallel_loop3A_371 : i32 to index
          %parallel_loop3A_381 = arith.index_cast %parallel_loop3A_379 : i32 to index
          %parallel_loop3A_382 = tpu.vector_load %arg5[%parallel_loop3A_380, %parallel_loop3A_381] {strides = array<i32>} : memref<8x1024xf32, #tpu.memory_space<vmem>>, vector<1x16xf32>,
          %parallel_loop3A_383 = vector.shape_cast %parallel_loop3A_382 : vector<1x16xf32> to vector<16xf32>
          %parallel_loop3A_384 = arith.index_cast %parallel_loop3A_371 : i32 to index
          %parallel_loop3A_385 = arith.index_cast %parallel_loop3A_377 : i32 to index
          %parallel_loop3A_386 = tpu.vector_load %arg7[%parallel_loop3A_384, %parallel_loop3A_385] {strides = array<i32>} : memref<8x1024xf32, #tpu.memory_space<vmem>>, vector<1x16xf32>,
          %parallel_loop3A_387 = vector.shape_cast %parallel_loop3A_386 : vector<1x16xf32> to vector<16xf32>
          %parallel_loop3A_388 = vector.shape_cast %parallel_loop3A_383 : vector<16xf32> to vector<1x16xf32>
          tpu.vector_store %arg7[%parallel_loop3A_384, %parallel_loop3A_385], %parallel_loop3A_388 {add = true, strides = array<i32>} : memref<8x1024xf32, #tpu.memory_space<vmem>>, vector<1x16xf32>,
        } {sc.loop_unroll_factor = 8 : i64, sc.parallel_access}
      } {sc.loop_unroll_factor = 1 : i64, sc.parallel_access}
      %mul3A_144 = arith.constant 8 : i32
      %mul3A_145 = arith.muli %mul3A_122, %mul3A_144 : i32
      %add3A_146 = arith.addi %mul3A_2, %mul3A_145 : i32
      %dma_start3A_147 = arith.constant 0 : i32
      %dma_start3A_148 = arith.constant 0 : i32
      %dma_start3A_149 = tpu.memref_slice %arg4[%dma_start3A_147, %add3A_146, %dma_start3A_148] : memref<4x8192x1024xf32, #tpu.memory_space<hbm>> -> memref<1x8x1024xf32, #tpu.memory_space<hbm>>
      %dma_start3A_150 = tpu.memref_squeeze %dma_start3A_149 : memref<1x8x1024xf32, #tpu.memory_space<hbm>> -> memref<8x1024xf32, #tpu.memory_space<hbm>>
      %dma_start3A_151 = arith.constant 0 : i32
      %dma_start3A_152 = tpu.memref_slice %arg4[%dma_start3A_147, %add3A_146, %dma_start3A_151] : memref<4x8192x1024xf32, #tpu.memory_space<hbm>> -> memref<1x8x1024xf32, #tpu.memory_space<hbm>>
      %dma_start3A_153 = tpu.memref_squeeze %dma_start3A_152 : memref<1x8x1024xf32, #tpu.memory_space<hbm>> -> memref<8x1024xf32, #tpu.memory_space<hbm>>
      tpu.enqueue_dma source(%arg7 : memref<8x1024xf32, #tpu.memory_space<vmem>>) target(%dma_start3A_153 : memref<8x1024xf32, #tpu.memory_space<hbm>>) target_semaphore(%arg25 : memref<!tpu.dma_semaphore, #tpu.memory_space<semaphore_mem>>)
      %lt3A_154 = arith.constant 31 : i32
      %lt3A_155 = arith.cmpi slt, %mul3A_122, %lt3A_154 : i32
      %convert_element_type3A_156 = arith.extui %lt3A_155 : i1 to i32
      %cond3A_157 = arith.constant 0 : i32
      %cond3A_158 = arith.cmpi ne, %convert_element_type3A_156, %cond3A_157 : i32
      scf.if %cond3A_158 {
        %gt3A = arith.constant 0 : i32
        %gt3A_371 = arith.cmpi sgt, %mul3A_122, %gt3A : i32
        %convert_element_type3A_372 = arith.extui %gt3A_371 : i1 to i32
        %cond3A_373 = arith.constant 0 : i32
        %cond3A_374 = arith.cmpi ne, %convert_element_type3A_372, %cond3A_373 : i32
        scf.if %cond3A_374 {
          %sub3A = arith.constant 1 : i32
          %sub3A_387 = arith.subi %mul3A_122, %sub3A : i32
          %mul3A_388 = arith.constant 8 : i32
          %mul3A_389 = arith.muli %sub3A_387, %mul3A_388 : i32
          %add3A_390 = arith.addi %mul3A_2, %mul3A_389 : i32
          %dma_wait3A_391 = arith.constant 0 : i32
          %dma_wait3A_392 = arith.constant 0 : i32
          %dma_wait3A_393 = tpu.memref_slice %arg4[%dma_wait3A_391, %add3A_390, %dma_wait3A_392] : memref<4x8192x1024xf32, #tpu.memory_space<hbm>> -> memref<1x8x1024xf32, #tpu.memory_space<hbm>>
          %dma_wait3A_394 = tpu.memref_squeeze %dma_wait3A_393 : memref<1x8x1024xf32, #tpu.memory_space<hbm>> -> memref<8x1024xf32, #tpu.memory_space<hbm>>
          %dma_wait3A_395 = arith.constant 0 : i32
          %dma_wait3A_396 = tpu.memref_slice %arg4[%dma_wait3A_391, %add3A_390, %dma_wait3A_395] : memref<4x8192x1024xf32, #tpu.memory_space<hbm>> -> memref<1x8x1024xf32, #tpu.memory_space<hbm>>
          %dma_wait3A_397 = tpu.memref_squeeze %dma_wait3A_396 : memref<1x8x1024xf32, #tpu.memory_space<hbm>> -> memref<8x1024xf32, #tpu.memory_space<hbm>>
          tpu.wait_dma2 semaphore(%arg29 : memref<!tpu.dma_semaphore, #tpu.memory_space<semaphore_mem>>) src(%arg11 : memref<8x1024xf32, #tpu.memory_space<vmem>>) dst(%dma_wait3A_397 : memref<8x1024xf32, #tpu.memory_space<hbm>>)
        } else {
        }
        %add3A_375 = arith.constant 1 : i32
        %add3A_376 = arith.addi %mul3A_122, %add3A_375 : i32
        %mul3A_377 = arith.constant 8 : i32
        %mul3A_378 = arith.muli %add3A_376, %mul3A_377 : i32
        %add3A_379 = arith.addi %mul3A_2, %mul3A_378 : i32
        %dma_start3A_380 = arith.constant 0 : i32
        %dma_start3A_381 = arith.constant 0 : i32
        %dma_start3A_382 = tpu.memref_slice %arg2[%dma_start3A_380, %add3A_379, %dma_start3A_381] : memref<4x8192x1024xf32, #tpu.memory_space<hbm>> -> memref<1x8x1024xf32, #tpu.memory_space<hbm>>
        %dma_start3A_383 = tpu.memref_squeeze %dma_start3A_382 : memref<1x8x1024xf32, #tpu.memory_space<hbm>> -> memref<8x1024xf32, #tpu.memory_space<hbm>>
        %dma_start3A_384 = arith.constant 0 : i32
        %dma_start3A_385 = tpu.memref_slice %arg2[%dma_start3A_380, %add3A_379, %dma_start3A_384] : memref<4x8192x1024xf32, #tpu.memory_space<hbm>> -> memref<1x8x1024xf32, #tpu.memory_space<hbm>>
        %dma_start3A_386 = tpu.memref_squeeze %dma_start3A_385 : memref<1x8x1024xf32, #tpu.memory_space<hbm>> -> memref<8x1024xf32, #tpu.memory_space<hbm>>
        tpu.enqueue_dma source(%dma_start3A_386 : memref<8x1024xf32, #tpu.memory_space<hbm>>) target(%arg11 : memref<8x1024xf32, #tpu.memory_space<vmem>>) target_semaphore(%arg21 : memref<!tpu.dma_semaphore, #tpu.memory_space<semaphore_mem>>)
      } else {
      }
      %mul3A_159 = arith.constant 8 : i32
      %mul3A_160 = arith.muli %mul3A_122, %mul3A_159 : i32
      %add3A_161 = arith.addi %mul3A_2, %mul3A_160 : i32
      %dma_wait3A_162 = arith.constant 1 : i32
      %dma_wait3A_163 = arith.constant 0 : i32
      %dma_wait3A_164 = tpu.memref_slice %arg2[%dma_wait3A_162, %add3A_161, %dma_wait3A_163] : memref<4x8192x1024xf32, #tpu.memory_space<hbm>> -> memref<1x8x1024xf32, #tpu.memory_space<hbm>>
      %dma_wait3A_165 = tpu.memref_squeeze %dma_wait3A_164 : memref<1x8x1024xf32, #tpu.memory_space<hbm>> -> memref<8x1024xf32, #tpu.memory_space<hbm>>
      %dma_wait3A_166 = arith.constant 0 : i32
      %dma_wait3A_167 = tpu.memref_slice %arg2[%dma_wait3A_162, %add3A_161, %dma_wait3A_166] : memref<4x8192x1024xf32, #tpu.memory_space<hbm>> -> memref<1x8x1024xf32, #tpu.memory_space<hbm>>
      %dma_wait3A_168 = tpu.memref_squeeze %dma_wait3A_167 : memref<1x8x1024xf32, #tpu.memory_space<hbm>> -> memref<8x1024xf32, #tpu.memory_space<hbm>>
      tpu.wait_dma2 semaphore(%arg18 : memref<!tpu.dma_semaphore, #tpu.memory_space<semaphore_mem>>) src(%dma_wait3A_168 : memref<8x1024xf32, #tpu.memory_space<hbm>>) dst(%arg8 : memref<8x1024xf32, #tpu.memory_space<vmem>>)
      %parallel_loop3A_169 = arith.constant 0 : i32
      %parallel_loop3A_170 = arith.constant 8 : i32
      %parallel_loop3A_171 = arith.constant 1 : i32
      scf.for %parallel_loop3A_371 = %parallel_loop3A_169 to %parallel_loop3A_170 step %parallel_loop3A_171  : i32 {
        %parallel_loop3A_372 = arith.constant 0 : i32
        %parallel_loop3A_373 = arith.constant 64 : i32
        %parallel_loop3A_374 = arith.constant 1 : i32
        scf.for %parallel_loop3A_375 = %parallel_loop3A_372 to %parallel_loop3A_373 step %parallel_loop3A_374  : i32 {
          %parallel_loop3A_376 = arith.constant 16 : i32
          %parallel_loop3A_377 = arith.muli %parallel_loop3A_375, %parallel_loop3A_376 : i32
          %parallel_loop3A_378 = arith.constant 16 : i32
          %parallel_loop3A_379 = arith.muli %parallel_loop3A_375, %parallel_loop3A_378 : i32
          %parallel_loop3A_380 = arith.index_cast %parallel_loop3A_371 : i32 to index
          %parallel_loop3A_381 = arith.index_cast %parallel_loop3A_379 : i32 to index
          %parallel_loop3A_382 = tpu.vector_load %arg5[%parallel_loop3A_380, %parallel_loop3A_381] {strides = array<i32>} : memref<8x1024xf32, #tpu.memory_space<vmem>>, vector<1x16xf32>,
          %parallel_loop3A_383 = vector.shape_cast %parallel_loop3A_382 : vector<1x16xf32> to vector<16xf32>
          %parallel_loop3A_384 = arith.index_cast %parallel_loop3A_371 : i32 to index
          %parallel_loop3A_385 = arith.index_cast %parallel_loop3A_377 : i32 to index
          %parallel_loop3A_386 = tpu.vector_load %arg8[%parallel_loop3A_384, %parallel_loop3A_385] {strides = array<i32>} : memref<8x1024xf32, #tpu.memory_space<vmem>>, vector<1x16xf32>,
          %parallel_loop3A_387 = vector.shape_cast %parallel_loop3A_386 : vector<1x16xf32> to vector<16xf32>
          %parallel_loop3A_388 = vector.shape_cast %parallel_loop3A_383 : vector<16xf32> to vector<1x16xf32>
          tpu.vector_store %arg8[%parallel_loop3A_384, %parallel_loop3A_385], %parallel_loop3A_388 {add = true, strides = array<i32>} : memref<8x1024xf32, #tpu.memory_space<vmem>>, vector<1x16xf32>,
        } {sc.loop_unroll_factor = 8 : i64, sc.parallel_access}
      } {sc.loop_unroll_factor = 1 : i64, sc.parallel_access}
      %mul3A_172 = arith.constant 8 : i32
      %mul3A_173 = arith.muli %mul3A_122, %mul3A_172 : i32
      %add3A_174 = arith.addi %mul3A_2, %mul3A_173 : i32
      %dma_start3A_175 = arith.constant 1 : i32
      %dma_start3A_176 = arith.constant 0 : i32
      %dma_start3A_177 = tpu.memref_slice %arg4[%dma_start3A_175, %add3A_174, %dma_start3A_176] : memref<4x8192x1024xf32, #tpu.memory_space<hbm>> -> memref<1x8x1024xf32, #tpu.memory_space<hbm>>
      %dma_start3A_178 = tpu.memref_squeeze %dma_start3A_177 : memref<1x8x1024xf32, #tpu.memory_space<hbm>> -> memref<8x1024xf32, #tpu.memory_space<hbm>>
      %dma_start3A_179 = arith.constant 0 : i32
      %dma_start3A_180 = tpu.memref_slice %arg4[%dma_start3A_175, %add3A_174, %dma_start3A_179] : memref<4x8192x1024xf32, #tpu.memory_space<hbm>> -> memref<1x8x1024xf32, #tpu.memory_space<hbm>>
      %dma_start3A_181 = tpu.memref_squeeze %dma_start3A_180 : memref<1x8x1024xf32, #tpu.memory_space<hbm>> -> memref<8x1024xf32, #tpu.memory_space<hbm>>
      tpu.enqueue_dma source(%arg8 : memref<8x1024xf32, #tpu.memory_space<vmem>>) target(%dma_start3A_181 : memref<8x1024xf32, #tpu.memory_space<hbm>>) target_semaphore(%arg26 : memref<!tpu.dma_semaphore, #tpu.memory_space<semaphore_mem>>)
      %lt3A_182 = arith.constant 31 : i32
      %lt3A_183 = arith.cmpi slt, %mul3A_122, %lt3A_182 : i32
      %convert_element_type3A_184 = arith.extui %lt3A_183 : i1 to i32
      %cond3A_185 = arith.constant 0 : i32
      %cond3A_186 = arith.cmpi ne, %convert_element_type3A_184, %cond3A_185 : i32
      scf.if %cond3A_186 {
        %gt3A = arith.constant 0 : i32
        %gt3A_371 = arith.cmpi sgt, %mul3A_122, %gt3A : i32
        %convert_element_type3A_372 = arith.extui %gt3A_371 : i1 to i32
        %cond3A_373 = arith.constant 0 : i32
        %cond3A_374 = arith.cmpi ne, %convert_element_type3A_372, %cond3A_373 : i32
        scf.if %cond3A_374 {
          %sub3A = arith.constant 1 : i32
          %sub3A_387 = arith.subi %mul3A_122, %sub3A : i32
          %mul3A_388 = arith.constant 8 : i32
          %mul3A_389 = arith.muli %sub3A_387, %mul3A_388 : i32
          %add3A_390 = arith.addi %mul3A_2, %mul3A_389 : i32
          %dma_wait3A_391 = arith.constant 1 : i32
          %dma_wait3A_392 = arith.constant 0 : i32
          %dma_wait3A_393 = tpu.memref_slice %arg4[%dma_wait3A_391, %add3A_390, %dma_wait3A_392] : memref<4x8192x1024xf32, #tpu.memory_space<hbm>> -> memref<1x8x1024xf32, #tpu.memory_space<hbm>>
          %dma_wait3A_394 = tpu.memref_squeeze %dma_wait3A_393 : memref<1x8x1024xf32, #tpu.memory_space<hbm>> -> memref<8x1024xf32, #tpu.memory_space<hbm>>
          %dma_wait3A_395 = arith.constant 0 : i32
          %dma_wait3A_396 = tpu.memref_slice %arg4[%dma_wait3A_391, %add3A_390, %dma_wait3A_395] : memref<4x8192x1024xf32, #tpu.memory_space<hbm>> -> memref<1x8x1024xf32, #tpu.memory_space<hbm>>
          %dma_wait3A_397 = tpu.memref_squeeze %dma_wait3A_396 : memref<1x8x1024xf32, #tpu.memory_space<hbm>> -> memref<8x1024xf32, #tpu.memory_space<hbm>>
          tpu.wait_dma2 semaphore(%arg30 : memref<!tpu.dma_semaphore, #tpu.memory_space<semaphore_mem>>) src(%arg12 : memref<8x1024xf32, #tpu.memory_space<vmem>>) dst(%dma_wait3A_397 : memref<8x1024xf32, #tpu.memory_space<hbm>>)
        } else {
        }
        %add3A_375 = arith.constant 1 : i32
        %add3A_376 = arith.addi %mul3A_122, %add3A_375 : i32
        %mul3A_377 = arith.constant 8 : i32
        %mul3A_378 = arith.muli %add3A_376, %mul3A_377 : i32
        %add3A_379 = arith.addi %mul3A_2, %mul3A_378 : i32
        %dma_start3A_380 = arith.constant 1 : i32
        %dma_start3A_381 = arith.constant 0 : i32
        %dma_start3A_382 = tpu.memref_slice %arg2[%dma_start3A_380, %add3A_379, %dma_start3A_381] : memref<4x8192x1024xf32, #tpu.memory_space<hbm>> -> memref<1x8x1024xf32, #tpu.memory_space<hbm>>
        %dma_start3A_383 = tpu.memref_squeeze %dma_start3A_382 : memref<1x8x1024xf32, #tpu.memory_space<hbm>> -> memref<8x1024xf32, #tpu.memory_space<hbm>>
        %dma_start3A_384 = arith.constant 0 : i32
        %dma_start3A_385 = tpu.memref_slice %arg2[%dma_start3A_380, %add3A_379, %dma_start3A_384] : memref<4x8192x1024xf32, #tpu.memory_space<hbm>> -> memref<1x8x1024xf32, #tpu.memory_space<hbm>>
        %dma_start3A_386 = tpu.memref_squeeze %dma_start3A_385 : memref<1x8x1024xf32, #tpu.memory_space<hbm>> -> memref<8x1024xf32, #tpu.memory_space<hbm>>
        tpu.enqueue_dma source(%dma_start3A_386 : memref<8x1024xf32, #tpu.memory_space<hbm>>) target(%arg12 : memref<8x1024xf32, #tpu.memory_space<vmem>>) target_semaphore(%arg22 : memref<!tpu.dma_semaphore, #tpu.memory_space<semaphore_mem>>)
      } else {
      }
      %mul3A_187 = arith.constant 8 : i32
      %mul3A_188 = arith.muli %mul3A_122, %mul3A_187 : i32
      %add3A_189 = arith.addi %mul3A_2, %mul3A_188 : i32
      %dma_wait3A_190 = arith.constant 2 : i32
      %dma_wait3A_191 = arith.constant 0 : i32
      %dma_wait3A_192 = tpu.memref_slice %arg2[%dma_wait3A_190, %add3A_189, %dma_wait3A_191] : memref<4x8192x1024xf32, #tpu.memory_space<hbm>> -> memref<1x8x1024xf32, #tpu.memory_space<hbm>>
      %dma_wait3A_193 = tpu.memref_squeeze %dma_wait3A_192 : memref<1x8x1024xf32, #tpu.memory_space<hbm>> -> memref<8x1024xf32, #tpu.memory_space<hbm>>
      %dma_wait3A_194 = arith.constant 0 : i32
      %dma_wait3A_195 = tpu.memref_slice %arg2[%dma_wait3A_190, %add3A_189, %dma_wait3A_194] : memref<4x8192x1024xf32, #tpu.memory_space<hbm>> -> memref<1x8x1024xf32, #tpu.memory_space<hbm>>
      %dma_wait3A_196 = tpu.memref_squeeze %dma_wait3A_195 : memref<1x8x1024xf32, #tpu.memory_space<hbm>> -> memref<8x1024xf32, #tpu.memory_space<hbm>>
      tpu.wait_dma2 semaphore(%arg19 : memref<!tpu.dma_semaphore, #tpu.memory_space<semaphore_mem>>) src(%dma_wait3A_196 : memref<8x1024xf32, #tpu.memory_space<hbm>>) dst(%arg9 : memref<8x1024xf32, #tpu.memory_space<vmem>>)
      %parallel_loop3A_197 = arith.constant 0 : i32
      %parallel_loop3A_198 = arith.constant 8 : i32
      %parallel_loop3A_199 = arith.constant 1 : i32
      scf.for %parallel_loop3A_371 = %parallel_loop3A_197 to %parallel_loop3A_198 step %parallel_loop3A_199  : i32 {
        %parallel_loop3A_372 = arith.constant 0 : i32
        %parallel_loop3A_373 = arith.constant 64 : i32
        %parallel_loop3A_374 = arith.constant 1 : i32
        scf.for %parallel_loop3A_375 = %parallel_loop3A_372 to %parallel_loop3A_373 step %parallel_loop3A_374  : i32 {
          %parallel_loop3A_376 = arith.constant 16 : i32
          %parallel_loop3A_377 = arith.muli %parallel_loop3A_375, %parallel_loop3A_376 : i32
          %parallel_loop3A_378 = arith.constant 16 : i32
          %parallel_loop3A_379 = arith.muli %parallel_loop3A_375, %parallel_loop3A_378 : i32
          %parallel_loop3A_380 = arith.index_cast %parallel_loop3A_371 : i32 to index
          %parallel_loop3A_381 = arith.index_cast %parallel_loop3A_379 : i32 to index
          %parallel_loop3A_382 = tpu.vector_load %arg5[%parallel_loop3A_380, %parallel_loop3A_381] {strides = array<i32>} : memref<8x1024xf32, #tpu.memory_space<vmem>>, vector<1x16xf32>,
          %parallel_loop3A_383 = vector.shape_cast %parallel_loop3A_382 : vector<1x16xf32> to vector<16xf32>
          %parallel_loop3A_384 = arith.index_cast %parallel_loop3A_371 : i32 to index
          %parallel_loop3A_385 = arith.index_cast %parallel_loop3A_377 : i32 to index
          %parallel_loop3A_386 = tpu.vector_load %arg9[%parallel_loop3A_384, %parallel_loop3A_385] {strides = array<i32>} : memref<8x1024xf32, #tpu.memory_space<vmem>>, vector<1x16xf32>,
          %parallel_loop3A_387 = vector.shape_cast %parallel_loop3A_386 : vector<1x16xf32> to vector<16xf32>
          %parallel_loop3A_388 = vector.shape_cast %parallel_loop3A_383 : vector<16xf32> to vector<1x16xf32>
          tpu.vector_store %arg9[%parallel_loop3A_384, %parallel_loop3A_385], %parallel_loop3A_388 {add = true, strides = array<i32>} : memref<8x1024xf32, #tpu.memory_space<vmem>>, vector<1x16xf32>,
        } {sc.loop_unroll_factor = 8 : i64, sc.parallel_access}
      } {sc.loop_unroll_factor = 1 : i64, sc.parallel_access}
      %mul3A_200 = arith.constant 8 : i32
      %mul3A_201 = arith.muli %mul3A_122, %mul3A_200 : i32
      %add3A_202 = arith.addi %mul3A_2, %mul3A_201 : i32
      %dma_start3A_203 = arith.constant 2 : i32
      %dma_start3A_204 = arith.constant 0 : i32
      %dma_start3A_205 = tpu.memref_slice %arg4[%dma_start3A_203, %add3A_202, %dma_start3A_204] : memref<4x8192x1024xf32, #tpu.memory_space<hbm>> -> memref<1x8x1024xf32, #tpu.memory_space<hbm>>
      %dma_start3A_206 = tpu.memref_squeeze %dma_start3A_205 : memref<1x8x1024xf32, #tpu.memory_space<hbm>> -> memref<8x1024xf32, #tpu.memory_space<hbm>>
      %dma_start3A_207 = arith.constant 0 : i32
      %dma_start3A_208 = tpu.memref_slice %arg4[%dma_start3A_203, %add3A_202, %dma_start3A_207] : memref<4x8192x1024xf32, #tpu.memory_space<hbm>> -> memref<1x8x1024xf32, #tpu.memory_space<hbm>>
      %dma_start3A_209 = tpu.memref_squeeze %dma_start3A_208 : memref<1x8x1024xf32, #tpu.memory_space<hbm>> -> memref<8x1024xf32, #tpu.memory_space<hbm>>
      tpu.enqueue_dma source(%arg9 : memref<8x1024xf32, #tpu.memory_space<vmem>>) target(%dma_start3A_209 : memref<8x1024xf32, #tpu.memory_space<hbm>>) target_semaphore(%arg27 : memref<!tpu.dma_semaphore, #tpu.memory_space<semaphore_mem>>)
      %lt3A_210 = arith.constant 31 : i32
      %lt3A_211 = arith.cmpi slt, %mul3A_122, %lt3A_210 : i32
      %convert_element_type3A_212 = arith.extui %lt3A_211 : i1 to i32
      %cond3A_213 = arith.constant 0 : i32
      %cond3A_214 = arith.cmpi ne, %convert_element_type3A_212, %cond3A_213 : i32
      scf.if %cond3A_214 {
        %gt3A = arith.constant 0 : i32
        %gt3A_371 = arith.cmpi sgt, %mul3A_122, %gt3A : i32
        %convert_element_type3A_372 = arith.extui %gt3A_371 : i1 to i32
        %cond3A_373 = arith.constant 0 : i32
        %cond3A_374 = arith.cmpi ne, %convert_element_type3A_372, %cond3A_373 : i32
        scf.if %cond3A_374 {
          %sub3A = arith.constant 1 : i32
          %sub3A_387 = arith.subi %mul3A_122, %sub3A : i32
          %mul3A_388 = arith.constant 8 : i32
          %mul3A_389 = arith.muli %sub3A_387, %mul3A_388 : i32
          %add3A_390 = arith.addi %mul3A_2, %mul3A_389 : i32
          %dma_wait3A_391 = arith.constant 2 : i32
          %dma_wait3A_392 = arith.constant 0 : i32
          %dma_wait3A_393 = tpu.memref_slice %arg4[%dma_wait3A_391, %add3A_390, %dma_wait3A_392] : memref<4x8192x1024xf32, #tpu.memory_space<hbm>> -> memref<1x8x1024xf32, #tpu.memory_space<hbm>>
          %dma_wait3A_394 = tpu.memref_squeeze %dma_wait3A_393 : memref<1x8x1024xf32, #tpu.memory_space<hbm>> -> memref<8x1024xf32, #tpu.memory_space<hbm>>
          %dma_wait3A_395 = arith.constant 0 : i32
          %dma_wait3A_396 = tpu.memref_slice %arg4[%dma_wait3A_391, %add3A_390, %dma_wait3A_395] : memref<4x8192x1024xf32, #tpu.memory_space<hbm>> -> memref<1x8x1024xf32, #tpu.memory_space<hbm>>
          %dma_wait3A_397 = tpu.memref_squeeze %dma_wait3A_396 : memref<1x8x1024xf32, #tpu.memory_space<hbm>> -> memref<8x1024xf32, #tpu.memory_space<hbm>>
          tpu.wait_dma2 semaphore(%arg31 : memref<!tpu.dma_semaphore, #tpu.memory_space<semaphore_mem>>) src(%arg13 : memref<8x1024xf32, #tpu.memory_space<vmem>>) dst(%dma_wait3A_397 : memref<8x1024xf32, #tpu.memory_space<hbm>>)
        } else {
        }
        %add3A_375 = arith.constant 1 : i32
        %add3A_376 = arith.addi %mul3A_122, %add3A_375 : i32
        %mul3A_377 = arith.constant 8 : i32
        %mul3A_378 = arith.muli %add3A_376, %mul3A_377 : i32
        %add3A_379 = arith.addi %mul3A_2, %mul3A_378 : i32
        %dma_start3A_380 = arith.constant 2 : i32
        %dma_start3A_381 = arith.constant 0 : i32
        %dma_start3A_382 = tpu.memref_slice %arg2[%dma_start3A_380, %add3A_379, %dma_start3A_381] : memref<4x8192x1024xf32, #tpu.memory_space<hbm>> -> memref<1x8x1024xf32, #tpu.memory_space<hbm>>
        %dma_start3A_383 = tpu.memref_squeeze %dma_start3A_382 : memref<1x8x1024xf32, #tpu.memory_space<hbm>> -> memref<8x1024xf32, #tpu.memory_space<hbm>>
        %dma_start3A_384 = arith.constant 0 : i32
        %dma_start3A_385 = tpu.memref_slice %arg2[%dma_start3A_380, %add3A_379, %dma_start3A_384] : memref<4x8192x1024xf32, #tpu.memory_space<hbm>> -> memref<1x8x1024xf32, #tpu.memory_space<hbm>>
        %dma_start3A_386 = tpu.memref_squeeze %dma_start3A_385 : memref<1x8x1024xf32, #tpu.memory_space<hbm>> -> memref<8x1024xf32, #tpu.memory_space<hbm>>
        tpu.enqueue_dma source(%dma_start3A_386 : memref<8x1024xf32, #tpu.memory_space<hbm>>) target(%arg13 : memref<8x1024xf32, #tpu.memory_space<vmem>>) target_semaphore(%arg23 : memref<!tpu.dma_semaphore, #tpu.memory_space<semaphore_mem>>)
      } else {
      }
      %mul3A_215 = arith.constant 8 : i32
      %mul3A_216 = arith.muli %mul3A_122, %mul3A_215 : i32
      %add3A_217 = arith.addi %mul3A_2, %mul3A_216 : i32
      %dma_wait3A_218 = arith.constant 3 : i32
      %dma_wait3A_219 = arith.constant 0 : i32
      %dma_wait3A_220 = tpu.memref_slice %arg2[%dma_wait3A_218, %add3A_217, %dma_wait3A_219] : memref<4x8192x1024xf32, #tpu.memory_space<hbm>> -> memref<1x8x1024xf32, #tpu.memory_space<hbm>>
      %dma_wait3A_221 = tpu.memref_squeeze %dma_wait3A_220 : memref<1x8x1024xf32, #tpu.memory_space<hbm>> -> memref<8x1024xf32, #tpu.memory_space<hbm>>
      %dma_wait3A_222 = arith.constant 0 : i32
      %dma_wait3A_223 = tpu.memref_slice %arg2[%dma_wait3A_218, %add3A_217, %dma_wait3A_222] : memref<4x8192x1024xf32, #tpu.memory_space<hbm>> -> memref<1x8x1024xf32, #tpu.memory_space<hbm>>
      %dma_wait3A_224 = tpu.memref_squeeze %dma_wait3A_223 : memref<1x8x1024xf32, #tpu.memory_space<hbm>> -> memref<8x1024xf32, #tpu.memory_space<hbm>>
      tpu.wait_dma2 semaphore(%arg20 : memref<!tpu.dma_semaphore, #tpu.memory_space<semaphore_mem>>) src(%dma_wait3A_224 : memref<8x1024xf32, #tpu.memory_space<hbm>>) dst(%arg10 : memref<8x1024xf32, #tpu.memory_space<vmem>>)
      %parallel_loop3A_225 = arith.constant 0 : i32
      %parallel_loop3A_226 = arith.constant 8 : i32
      %parallel_loop3A_227 = arith.constant 1 : i32
      scf.for %parallel_loop3A_371 = %parallel_loop3A_225 to %parallel_loop3A_226 step %parallel_loop3A_227  : i32 {
        %parallel_loop3A_372 = arith.constant 0 : i32
        %parallel_loop3A_373 = arith.constant 64 : i32
        %parallel_loop3A_374 = arith.constant 1 : i32
        scf.for %parallel_loop3A_375 = %parallel_loop3A_372 to %parallel_loop3A_373 step %parallel_loop3A_374  : i32 {
          %parallel_loop3A_376 = arith.constant 16 : i32
          %parallel_loop3A_377 = arith.muli %parallel_loop3A_375, %parallel_loop3A_376 : i32
          %parallel_loop3A_378 = arith.constant 16 : i32
          %parallel_loop3A_379 = arith.muli %parallel_loop3A_375, %parallel_loop3A_378 : i32
          %parallel_loop3A_380 = arith.index_cast %parallel_loop3A_371 : i32 to index
          %parallel_loop3A_381 = arith.index_cast %parallel_loop3A_379 : i32 to index
          %parallel_loop3A_382 = tpu.vector_load %arg5[%parallel_loop3A_380, %parallel_loop3A_381] {strides = array<i32>} : memref<8x1024xf32, #tpu.memory_space<vmem>>, vector<1x16xf32>,
          %parallel_loop3A_383 = vector.shape_cast %parallel_loop3A_382 : vector<1x16xf32> to vector<16xf32>
          %parallel_loop3A_384 = arith.index_cast %parallel_loop3A_371 : i32 to index
          %parallel_loop3A_385 = arith.index_cast %parallel_loop3A_377 : i32 to index
          %parallel_loop3A_386 = tpu.vector_load %arg10[%parallel_loop3A_384, %parallel_loop3A_385] {strides = array<i32>} : memref<8x1024xf32, #tpu.memory_space<vmem>>, vector<1x16xf32>,
          %parallel_loop3A_387 = vector.shape_cast %parallel_loop3A_386 : vector<1x16xf32> to vector<16xf32>
          %parallel_loop3A_388 = vector.shape_cast %parallel_loop3A_383 : vector<16xf32> to vector<1x16xf32>
          tpu.vector_store %arg10[%parallel_loop3A_384, %parallel_loop3A_385], %parallel_loop3A_388 {add = true, strides = array<i32>} : memref<8x1024xf32, #tpu.memory_space<vmem>>, vector<1x16xf32>,
        } {sc.loop_unroll_factor = 8 : i64, sc.parallel_access}
      } {sc.loop_unroll_factor = 1 : i64, sc.parallel_access}
      %mul3A_228 = arith.constant 8 : i32
      %mul3A_229 = arith.muli %mul3A_122, %mul3A_228 : i32
      %add3A_230 = arith.addi %mul3A_2, %mul3A_229 : i32
      %dma_start3A_231 = arith.constant 3 : i32
      %dma_start3A_232 = arith.constant 0 : i32
      %dma_start3A_233 = tpu.memref_slice %arg4[%dma_start3A_231, %add3A_230, %dma_start3A_232] : memref<4x8192x1024xf32, #tpu.memory_space<hbm>> -> memref<1x8x1024xf32, #tpu.memory_space<hbm>>
      %dma_start3A_234 = tpu.memref_squeeze %dma_start3A_233 : memref<1x8x1024xf32, #tpu.memory_space<hbm>> -> memref<8x1024xf32, #tpu.memory_space<hbm>>
      %dma_start3A_235 = arith.constant 0 : i32
      %dma_start3A_236 = tpu.memref_slice %arg4[%dma_start3A_231, %add3A_230, %dma_start3A_235] : memref<4x8192x1024xf32, #tpu.memory_space<hbm>> -> memref<1x8x1024xf32, #tpu.memory_space<hbm>>
      %dma_start3A_237 = tpu.memref_squeeze %dma_start3A_236 : memref<1x8x1024xf32, #tpu.memory_space<hbm>> -> memref<8x1024xf32, #tpu.memory_space<hbm>>
      tpu.enqueue_dma source(%arg10 : memref<8x1024xf32, #tpu.memory_space<vmem>>) target(%dma_start3A_237 : memref<8x1024xf32, #tpu.memory_space<hbm>>) target_semaphore(%arg28 : memref<!tpu.dma_semaphore, #tpu.memory_space<semaphore_mem>>)
      %lt3A_238 = arith.constant 31 : i32
      %lt3A_239 = arith.cmpi slt, %mul3A_122, %lt3A_238 : i32
      %convert_element_type3A_240 = arith.extui %lt3A_239 : i1 to i32
      %cond3A_241 = arith.constant 0 : i32
      %cond3A_242 = arith.cmpi ne, %convert_element_type3A_240, %cond3A_241 : i32
      scf.if %cond3A_242 {
        %gt3A = arith.constant 0 : i32
        %gt3A_371 = arith.cmpi sgt, %mul3A_122, %gt3A : i32
        %convert_element_type3A_372 = arith.extui %gt3A_371 : i1 to i32
        %cond3A_373 = arith.constant 0 : i32
        %cond3A_374 = arith.cmpi ne, %convert_element_type3A_372, %cond3A_373 : i32
        scf.if %cond3A_374 {
          %sub3A = arith.constant 1 : i32
          %sub3A_387 = arith.subi %mul3A_122, %sub3A : i32
          %mul3A_388 = arith.constant 8 : i32
          %mul3A_389 = arith.muli %sub3A_387, %mul3A_388 : i32
          %add3A_390 = arith.addi %mul3A_2, %mul3A_389 : i32
          %dma_wait3A_391 = arith.constant 3 : i32
          %dma_wait3A_392 = arith.constant 0 : i32
          %dma_wait3A_393 = tpu.memref_slice %arg4[%dma_wait3A_391, %add3A_390, %dma_wait3A_392] : memref<4x8192x1024xf32, #tpu.memory_space<hbm>> -> memref<1x8x1024xf32, #tpu.memory_space<hbm>>
          %dma_wait3A_394 = tpu.memref_squeeze %dma_wait3A_393 : memref<1x8x1024xf32, #tpu.memory_space<hbm>> -> memref<8x1024xf32, #tpu.memory_space<hbm>>
          %dma_wait3A_395 = arith.constant 0 : i32
          %dma_wait3A_396 = tpu.memref_slice %arg4[%dma_wait3A_391, %add3A_390, %dma_wait3A_395] : memref<4x8192x1024xf32, #tpu.memory_space<hbm>> -> memref<1x8x1024xf32, #tpu.memory_space<hbm>>
          %dma_wait3A_397 = tpu.memref_squeeze %dma_wait3A_396 : memref<1x8x1024xf32, #tpu.memory_space<hbm>> -> memref<8x1024xf32, #tpu.memory_space<hbm>>
          tpu.wait_dma2 semaphore(%arg32 : memref<!tpu.dma_semaphore, #tpu.memory_space<semaphore_mem>>) src(%arg14 : memref<8x1024xf32, #tpu.memory_space<vmem>>) dst(%dma_wait3A_397 : memref<8x1024xf32, #tpu.memory_space<hbm>>)
        } else {
        }
        %add3A_375 = arith.constant 1 : i32
        %add3A_376 = arith.addi %mul3A_122, %add3A_375 : i32
        %mul3A_377 = arith.constant 8 : i32
        %mul3A_378 = arith.muli %add3A_376, %mul3A_377 : i32
        %add3A_379 = arith.addi %mul3A_2, %mul3A_378 : i32
        %dma_start3A_380 = arith.constant 3 : i32
        %dma_start3A_381 = arith.constant 0 : i32
        %dma_start3A_382 = tpu.memref_slice %arg2[%dma_start3A_380, %add3A_379, %dma_start3A_381] : memref<4x8192x1024xf32, #tpu.memory_space<hbm>> -> memref<1x8x1024xf32, #tpu.memory_space<hbm>>
        %dma_start3A_383 = tpu.memref_squeeze %dma_start3A_382 : memref<1x8x1024xf32, #tpu.memory_space<hbm>> -> memref<8x1024xf32, #tpu.memory_space<hbm>>
        %dma_start3A_384 = arith.constant 0 : i32
        %dma_start3A_385 = tpu.memref_slice %arg2[%dma_start3A_380, %add3A_379, %dma_start3A_384] : memref<4x8192x1024xf32, #tpu.memory_space<hbm>> -> memref<1x8x1024xf32, #tpu.memory_space<hbm>>
        %dma_start3A_386 = tpu.memref_squeeze %dma_start3A_385 : memref<1x8x1024xf32, #tpu.memory_space<hbm>> -> memref<8x1024xf32, #tpu.memory_space<hbm>>
        tpu.enqueue_dma source(%dma_start3A_386 : memref<8x1024xf32, #tpu.memory_space<hbm>>) target(%arg14 : memref<8x1024xf32, #tpu.memory_space<vmem>>) target_semaphore(%arg24 : memref<!tpu.dma_semaphore, #tpu.memory_space<semaphore_mem>>)
      } else {
      }
      %mul3A_243 = arith.constant 2 : i32
      %mul3A_244 = arith.muli %scan3A_120, %mul3A_243 : i32
      %add3A_245 = arith.constant 1 : i32
      %add3A_246 = arith.addi %mul3A_244, %add3A_245 : i32
      %mul3A_247 = arith.constant 8 : i32
      %mul3A_248 = arith.muli %add3A_246, %mul3A_247 : i32
      %add3A_249 = arith.addi %mul3A_2, %mul3A_248 : i32
      %dma_wait3A_250 = arith.constant 0 : i32
      %dma_wait3A_251 = tpu.memref_slice %arg3[%add3A_249, %dma_wait3A_250] : memref<8192x1024xf32, #tpu.memory_space<hbm>> -> memref<8x1024xf32, #tpu.memory_space<hbm>>
      %dma_wait3A_252 = arith.constant 0 : i32
      %dma_wait3A_253 = tpu.memref_slice %arg3[%add3A_249, %dma_wait3A_252] : memref<8192x1024xf32, #tpu.memory_space<hbm>> -> memref<8x1024xf32, #tpu.memory_space<hbm>>
      tpu.wait_dma2 semaphore(%arg16 : memref<!tpu.dma_semaphore, #tpu.memory_space<semaphore_mem>>) src(%dma_wait3A_253 : memref<8x1024xf32, #tpu.memory_space<hbm>>) dst(%arg6 : memref<8x1024xf32, #tpu.memory_space<vmem>>)
      %lt3A_254 = arith.constant 31 : i32
      %lt3A_255 = arith.cmpi slt, %add3A_246, %lt3A_254 : i32
      %convert_element_type3A_256 = arith.extui %lt3A_255 : i1 to i32
      %cond3A_257 = arith.constant 0 : i32
      %cond3A_258 = arith.cmpi ne, %convert_element_type3A_256, %cond3A_257 : i32
      scf.if %cond3A_258 {
        %add3A_371 = arith.constant 1 : i32
        %add3A_372 = arith.addi %add3A_246, %add3A_371 : i32
        %mul3A_373 = arith.constant 8 : i32
        %mul3A_374 = arith.muli %add3A_372, %mul3A_373 : i32
        %add3A_375 = arith.addi %mul3A_2, %mul3A_374 : i32
        %dma_start3A_376 = arith.constant 0 : i32
        %dma_start3A_377 = tpu.memref_slice %arg3[%add3A_375, %dma_start3A_376] : memref<8192x1024xf32, #tpu.memory_space<hbm>> -> memref<8x1024xf32, #tpu.memory_space<hbm>>
        %dma_start3A_378 = arith.constant 0 : i32
        %dma_start3A_379 = tpu.memref_slice %arg3[%add3A_375, %dma_start3A_378] : memref<8192x1024xf32, #tpu.memory_space<hbm>> -> memref<8x1024xf32, #tpu.memory_space<hbm>>
        tpu.enqueue_dma source(%dma_start3A_379 : memref<8x1024xf32, #tpu.memory_space<hbm>>) target(%arg5 : memref<8x1024xf32, #tpu.memory_space<vmem>>) target_semaphore(%arg15 : memref<!tpu.dma_semaphore, #tpu.memory_space<semaphore_mem>>)
      } else {
      }
      %mul3A_259 = arith.constant 8 : i32
      %mul3A_260 = arith.muli %add3A_246, %mul3A_259 : i32
      %add3A_261 = arith.addi %mul3A_2, %mul3A_260 : i32
      %dma_wait3A_262 = arith.constant 0 : i32
      %dma_wait3A_263 = arith.constant 0 : i32
      %dma_wait3A_264 = tpu.memref_slice %arg2[%dma_wait3A_262, %add3A_261, %dma_wait3A_263] : memref<4x8192x1024xf32, #tpu.memory_space<hbm>> -> memref<1x8x1024xf32, #tpu.memory_space<hbm>>
      %dma_wait3A_265 = tpu.memref_squeeze %dma_wait3A_264 : memref<1x8x1024xf32, #tpu.memory_space<hbm>> -> memref<8x1024xf32, #tpu.memory_space<hbm>>
      %dma_wait3A_266 = arith.constant 0 : i32
      %dma_wait3A_267 = tpu.memref_slice %arg2[%dma_wait3A_262, %add3A_261, %dma_wait3A_266] : memref<4x8192x1024xf32, #tpu.memory_space<hbm>> -> memref<1x8x1024xf32, #tpu.memory_space<hbm>>
      %dma_wait3A_268 = tpu.memref_squeeze %dma_wait3A_267 : memref<1x8x1024xf32, #tpu.memory_space<hbm>> -> memref<8x1024xf32, #tpu.memory_space<hbm>>
      tpu.wait_dma2 semaphore(%arg21 : memref<!tpu.dma_semaphore, #tpu.memory_space<semaphore_mem>>) src(%dma_wait3A_268 : memref<8x1024xf32, #tpu.memory_space<hbm>>) dst(%arg11 : memref<8x1024xf32, #tpu.memory_space<vmem>>)
      %parallel_loop3A_269 = arith.constant 0 : i32
      %parallel_loop3A_270 = arith.constant 8 : i32
      %parallel_loop3A_271 = arith.constant 1 : i32
      scf.for %parallel_loop3A_371 = %parallel_loop3A_269 to %parallel_loop3A_270 step %parallel_loop3A_271  : i32 {
        %parallel_loop3A_372 = arith.constant 0 : i32
        %parallel_loop3A_373 = arith.constant 64 : i32
        %parallel_loop3A_374 = arith.constant 1 : i32
        scf.for %parallel_loop3A_375 = %parallel_loop3A_372 to %parallel_loop3A_373 step %parallel_loop3A_374  : i32 {
          %parallel_loop3A_376 = arith.constant 16 : i32
          %parallel_loop3A_377 = arith.muli %parallel_loop3A_375, %parallel_loop3A_376 : i32
          %parallel_loop3A_378 = arith.constant 16 : i32
          %parallel_loop3A_379 = arith.muli %parallel_loop3A_375, %parallel_loop3A_378 : i32
          %parallel_loop3A_380 = arith.index_cast %parallel_loop3A_371 : i32 to index
          %parallel_loop3A_381 = arith.index_cast %parallel_loop3A_379 : i32 to index
          %parallel_loop3A_382 = tpu.vector_load %arg6[%parallel_loop3A_380, %parallel_loop3A_381] {strides = array<i32>} : memref<8x1024xf32, #tpu.memory_space<vmem>>, vector<1x16xf32>,
          %parallel_loop3A_383 = vector.shape_cast %parallel_loop3A_382 : vector<1x16xf32> to vector<16xf32>
          %parallel_loop3A_384 = arith.index_cast %parallel_loop3A_371 : i32 to index
          %parallel_loop3A_385 = arith.index_cast %parallel_loop3A_377 : i32 to index
          %parallel_loop3A_386 = tpu.vector_load %arg11[%parallel_loop3A_384, %parallel_loop3A_385] {strides = array<i32>} : memref<8x1024xf32, #tpu.memory_space<vmem>>, vector<1x16xf32>,
          %parallel_loop3A_387 = vector.shape_cast %parallel_loop3A_386 : vector<1x16xf32> to vector<16xf32>
          %parallel_loop3A_388 = vector.shape_cast %parallel_loop3A_383 : vector<16xf32> to vector<1x16xf32>
          tpu.vector_store %arg11[%parallel_loop3A_384, %parallel_loop3A_385], %parallel_loop3A_388 {add = true, strides = array<i32>} : memref<8x1024xf32, #tpu.memory_space<vmem>>, vector<1x16xf32>,
        } {sc.loop_unroll_factor = 8 : i64, sc.parallel_access}
      } {sc.loop_unroll_factor = 1 : i64, sc.parallel_access}
      %mul3A_272 = arith.constant 8 : i32
      %mul3A_273 = arith.muli %add3A_246, %mul3A_272 : i32
      %add3A_274 = arith.addi %mul3A_2, %mul3A_273 : i32
      %dma_start3A_275 = arith.constant 0 : i32
      %dma_start3A_276 = arith.constant 0 : i32
      %dma_start3A_277 = tpu.memref_slice %arg4[%dma_start3A_275, %add3A_274, %dma_start3A_276] : memref<4x8192x1024xf32, #tpu.memory_space<hbm>> -> memref<1x8x1024xf32, #tpu.memory_space<hbm>>
      %dma_start3A_278 = tpu.memref_squeeze %dma_start3A_277 : memref<1x8x1024xf32, #tpu.memory_space<hbm>> -> memref<8x1024xf32, #tpu.memory_space<hbm>>
      %dma_start3A_279 = arith.constant 0 : i32
      %dma_start3A_280 = tpu.memref_slice %arg4[%dma_start3A_275, %add3A_274, %dma_start3A_279] : memref<4x8192x1024xf32, #tpu.memory_space<hbm>> -> memref<1x8x1024xf32, #tpu.memory_space<hbm>>
      %dma_start3A_281 = tpu.memref_squeeze %dma_start3A_280 : memref<1x8x1024xf32, #tpu.memory_space<hbm>> -> memref<8x1024xf32, #tpu.memory_space<hbm>>
      tpu.enqueue_dma source(%arg11 : memref<8x1024xf32, #tpu.memory_space<vmem>>) target(%dma_start3A_281 : memref<8x1024xf32, #tpu.memory_space<hbm>>) target_semaphore(%arg29 : memref<!tpu.dma_semaphore, #tpu.memory_space<semaphore_mem>>)
      %lt3A_282 = arith.constant 31 : i32
      %lt3A_283 = arith.cmpi slt, %add3A_246, %lt3A_282 : i32
      %convert_element_type3A_284 = arith.extui %lt3A_283 : i1 to i32
      %cond3A_285 = arith.constant 0 : i32
      %cond3A_286 = arith.cmpi ne, %convert_element_type3A_284, %cond3A_285 : i32
      scf.if %cond3A_286 {
        %gt3A = arith.constant 0 : i32
        %gt3A_371 = arith.cmpi sgt, %add3A_246, %gt3A : i32
        %convert_element_type3A_372 = arith.extui %gt3A_371 : i1 to i32
        %cond3A_373 = arith.constant 0 : i32
        %cond3A_374 = arith.cmpi ne, %convert_element_type3A_372, %cond3A_373 : i32
        scf.if %cond3A_374 {
          %sub3A = arith.constant 1 : i32
          %sub3A_387 = arith.subi %add3A_246, %sub3A : i32
          %mul3A_388 = arith.constant 8 : i32
          %mul3A_389 = arith.muli %sub3A_387, %mul3A_388 : i32
          %add3A_390 = arith.addi %mul3A_2, %mul3A_389 : i32
          %dma_wait3A_391 = arith.constant 0 : i32
          %dma_wait3A_392 = arith.constant 0 : i32
          %dma_wait3A_393 = tpu.memref_slice %arg4[%dma_wait3A_391, %add3A_390, %dma_wait3A_392] : memref<4x8192x1024xf32, #tpu.memory_space<hbm>> -> memref<1x8x1024xf32, #tpu.memory_space<hbm>>
          %dma_wait3A_394 = tpu.memref_squeeze %dma_wait3A_393 : memref<1x8x1024xf32, #tpu.memory_space<hbm>> -> memref<8x1024xf32, #tpu.memory_space<hbm>>
          %dma_wait3A_395 = arith.constant 0 : i32
          %dma_wait3A_396 = tpu.memref_slice %arg4[%dma_wait3A_391, %add3A_390, %dma_wait3A_395] : memref<4x8192x1024xf32, #tpu.memory_space<hbm>> -> memref<1x8x1024xf32, #tpu.memory_space<hbm>>
          %dma_wait3A_397 = tpu.memref_squeeze %dma_wait3A_396 : memref<1x8x1024xf32, #tpu.memory_space<hbm>> -> memref<8x1024xf32, #tpu.memory_space<hbm>>
          tpu.wait_dma2 semaphore(%arg25 : memref<!tpu.dma_semaphore, #tpu.memory_space<semaphore_mem>>) src(%arg7 : memref<8x1024xf32, #tpu.memory_space<vmem>>) dst(%dma_wait3A_397 : memref<8x1024xf32, #tpu.memory_space<hbm>>)
        } else {
        }
        %add3A_375 = arith.constant 1 : i32
        %add3A_376 = arith.addi %add3A_246, %add3A_375 : i32
        %mul3A_377 = arith.constant 8 : i32
        %mul3A_378 = arith.muli %add3A_376, %mul3A_377 : i32
        %add3A_379 = arith.addi %mul3A_2, %mul3A_378 : i32
        %dma_start3A_380 = arith.constant 0 : i32
        %dma_start3A_381 = arith.constant 0 : i32
        %dma_start3A_382 = tpu.memref_slice %arg2[%dma_start3A_380, %add3A_379, %dma_start3A_381] : memref<4x8192x1024xf32, #tpu.memory_space<hbm>> -> memref<1x8x1024xf32, #tpu.memory_space<hbm>>
        %dma_start3A_383 = tpu.memref_squeeze %dma_start3A_382 : memref<1x8x1024xf32, #tpu.memory_space<hbm>> -> memref<8x1024xf32, #tpu.memory_space<hbm>>
        %dma_start3A_384 = arith.constant 0 : i32
        %dma_start3A_385 = tpu.memref_slice %arg2[%dma_start3A_380, %add3A_379, %dma_start3A_384] : memref<4x8192x1024xf32, #tpu.memory_space<hbm>> -> memref<1x8x1024xf32, #tpu.memory_space<hbm>>
        %dma_start3A_386 = tpu.memref_squeeze %dma_start3A_385 : memref<1x8x1024xf32, #tpu.memory_space<hbm>> -> memref<8x1024xf32, #tpu.memory_space<hbm>>
        tpu.enqueue_dma source(%dma_start3A_386 : memref<8x1024xf32, #tpu.memory_space<hbm>>) target(%arg7 : memref<8x1024xf32, #tpu.memory_space<vmem>>) target_semaphore(%arg17 : memref<!tpu.dma_semaphore, #tpu.memory_space<semaphore_mem>>)
      } else {
      }
      %mul3A_287 = arith.constant 8 : i32
      %mul3A_288 = arith.muli %add3A_246, %mul3A_287 : i32
      %add3A_289 = arith.addi %mul3A_2, %mul3A_288 : i32
      %dma_wait3A_290 = arith.constant 1 : i32
      %dma_wait3A_291 = arith.constant 0 : i32
      %dma_wait3A_292 = tpu.memref_slice %arg2[%dma_wait3A_290, %add3A_289, %dma_wait3A_291] : memref<4x8192x1024xf32, #tpu.memory_space<hbm>> -> memref<1x8x1024xf32, #tpu.memory_space<hbm>>
      %dma_wait3A_293 = tpu.memref_squeeze %dma_wait3A_292 : memref<1x8x1024xf32, #tpu.memory_space<hbm>> -> memref<8x1024xf32, #tpu.memory_space<hbm>>
      %dma_wait3A_294 = arith.constant 0 : i32
      %dma_wait3A_295 = tpu.memref_slice %arg2[%dma_wait3A_290, %add3A_289, %dma_wait3A_294] : memref<4x8192x1024xf32, #tpu.memory_space<hbm>> -> memref<1x8x1024xf32, #tpu.memory_space<hbm>>
      %dma_wait3A_296 = tpu.memref_squeeze %dma_wait3A_295 : memref<1x8x1024xf32, #tpu.memory_space<hbm>> -> memref<8x1024xf32, #tpu.memory_space<hbm>>
      tpu.wait_dma2 semaphore(%arg22 : memref<!tpu.dma_semaphore, #tpu.memory_space<semaphore_mem>>) src(%dma_wait3A_296 : memref<8x1024xf32, #tpu.memory_space<hbm>>) dst(%arg12 : memref<8x1024xf32, #tpu.memory_space<vmem>>)
      %parallel_loop3A_297 = arith.constant 0 : i32
      %parallel_loop3A_298 = arith.constant 8 : i32
      %parallel_loop3A_299 = arith.constant 1 : i32
      scf.for %parallel_loop3A_371 = %parallel_loop3A_297 to %parallel_loop3A_298 step %parallel_loop3A_299  : i32 {
        %parallel_loop3A_372 = arith.constant 0 : i32
        %parallel_loop3A_373 = arith.constant 64 : i32
        %parallel_loop3A_374 = arith.constant 1 : i32
        scf.for %parallel_loop3A_375 = %parallel_loop3A_372 to %parallel_loop3A_373 step %parallel_loop3A_374  : i32 {
          %parallel_loop3A_376 = arith.constant 16 : i32
          %parallel_loop3A_377 = arith.muli %parallel_loop3A_375, %parallel_loop3A_376 : i32
          %parallel_loop3A_378 = arith.constant 16 : i32
          %parallel_loop3A_379 = arith.muli %parallel_loop3A_375, %parallel_loop3A_378 : i32
          %parallel_loop3A_380 = arith.index_cast %parallel_loop3A_371 : i32 to index
          %parallel_loop3A_381 = arith.index_cast %parallel_loop3A_379 : i32 to index
          %parallel_loop3A_382 = tpu.vector_load %arg6[%parallel_loop3A_380, %parallel_loop3A_381] {strides = array<i32>} : memref<8x1024xf32, #tpu.memory_space<vmem>>, vector<1x16xf32>,
          %parallel_loop3A_383 = vector.shape_cast %parallel_loop3A_382 : vector<1x16xf32> to vector<16xf32>
          %parallel_loop3A_384 = arith.index_cast %parallel_loop3A_371 : i32 to index
          %parallel_loop3A_385 = arith.index_cast %parallel_loop3A_377 : i32 to index
          %parallel_loop3A_386 = tpu.vector_load %arg12[%parallel_loop3A_384, %parallel_loop3A_385] {strides = array<i32>} : memref<8x1024xf32, #tpu.memory_space<vmem>>, vector<1x16xf32>,
          %parallel_loop3A_387 = vector.shape_cast %parallel_loop3A_386 : vector<1x16xf32> to vector<16xf32>
          %parallel_loop3A_388 = vector.shape_cast %parallel_loop3A_383 : vector<16xf32> to vector<1x16xf32>
          tpu.vector_store %arg12[%parallel_loop3A_384, %parallel_loop3A_385], %parallel_loop3A_388 {add = true, strides = array<i32>} : memref<8x1024xf32, #tpu.memory_space<vmem>>, vector<1x16xf32>,
        } {sc.loop_unroll_factor = 8 : i64, sc.parallel_access}
      } {sc.loop_unroll_factor = 1 : i64, sc.parallel_access}
      %mul3A_300 = arith.constant 8 : i32
      %mul3A_301 = arith.muli %add3A_246, %mul3A_300 : i32
      %add3A_302 = arith.addi %mul3A_2, %mul3A_301 : i32
      %dma_start3A_303 = arith.constant 1 : i32
      %dma_start3A_304 = arith.constant 0 : i32
      %dma_start3A_305 = tpu.memref_slice %arg4[%dma_start3A_303, %add3A_302, %dma_start3A_304] : memref<4x8192x1024xf32, #tpu.memory_space<hbm>> -> memref<1x8x1024xf32, #tpu.memory_space<hbm>>
      %dma_start3A_306 = tpu.memref_squeeze %dma_start3A_305 : memref<1x8x1024xf32, #tpu.memory_space<hbm>> -> memref<8x1024xf32, #tpu.memory_space<hbm>>
      %dma_start3A_307 = arith.constant 0 : i32
      %dma_start3A_308 = tpu.memref_slice %arg4[%dma_start3A_303, %add3A_302, %dma_start3A_307] : memref<4x8192x1024xf32, #tpu.memory_space<hbm>> -> memref<1x8x1024xf32, #tpu.memory_space<hbm>>
      %dma_start3A_309 = tpu.memref_squeeze %dma_start3A_308 : memref<1x8x1024xf32, #tpu.memory_space<hbm>> -> memref<8x1024xf32, #tpu.memory_space<hbm>>
      tpu.enqueue_dma source(%arg12 : memref<8x1024xf32, #tpu.memory_space<vmem>>) target(%dma_start3A_309 : memref<8x1024xf32, #tpu.memory_space<hbm>>) target_semaphore(%arg30 : memref<!tpu.dma_semaphore, #tpu.memory_space<semaphore_mem>>)
      %lt3A_310 = arith.constant 31 : i32
      %lt3A_311 = arith.cmpi slt, %add3A_246, %lt3A_310 : i32
      %convert_element_type3A_312 = arith.extui %lt3A_311 : i1 to i32
      %cond3A_313 = arith.constant 0 : i32
      %cond3A_314 = arith.cmpi ne, %convert_element_type3A_312, %cond3A_313 : i32
      scf.if %cond3A_314 {
        %gt3A = arith.constant 0 : i32
        %gt3A_371 = arith.cmpi sgt, %add3A_246, %gt3A : i32
        %convert_element_type3A_372 = arith.extui %gt3A_371 : i1 to i32
        %cond3A_373 = arith.constant 0 : i32
        %cond3A_374 = arith.cmpi ne, %convert_element_type3A_372, %cond3A_373 : i32
        scf.if %cond3A_374 {
          %sub3A = arith.constant 1 : i32
          %sub3A_387 = arith.subi %add3A_246, %sub3A : i32
          %mul3A_388 = arith.constant 8 : i32
          %mul3A_389 = arith.muli %sub3A_387, %mul3A_388 : i32
          %add3A_390 = arith.addi %mul3A_2, %mul3A_389 : i32
          %dma_wait3A_391 = arith.constant 1 : i32
          %dma_wait3A_392 = arith.constant 0 : i32
          %dma_wait3A_393 = tpu.memref_slice %arg4[%dma_wait3A_391, %add3A_390, %dma_wait3A_392] : memref<4x8192x1024xf32, #tpu.memory_space<hbm>> -> memref<1x8x1024xf32, #tpu.memory_space<hbm>>
          %dma_wait3A_394 = tpu.memref_squeeze %dma_wait3A_393 : memref<1x8x1024xf32, #tpu.memory_space<hbm>> -> memref<8x1024xf32, #tpu.memory_space<hbm>>
          %dma_wait3A_395 = arith.constant 0 : i32
          %dma_wait3A_396 = tpu.memref_slice %arg4[%dma_wait3A_391, %add3A_390, %dma_wait3A_395] : memref<4x8192x1024xf32, #tpu.memory_space<hbm>> -> memref<1x8x1024xf32, #tpu.memory_space<hbm>>
          %dma_wait3A_397 = tpu.memref_squeeze %dma_wait3A_396 : memref<1x8x1024xf32, #tpu.memory_space<hbm>> -> memref<8x1024xf32, #tpu.memory_space<hbm>>
          tpu.wait_dma2 semaphore(%arg26 : memref<!tpu.dma_semaphore, #tpu.memory_space<semaphore_mem>>) src(%arg8 : memref<8x1024xf32, #tpu.memory_space<vmem>>) dst(%dma_wait3A_397 : memref<8x1024xf32, #tpu.memory_space<hbm>>)
        } else {
        }
        %add3A_375 = arith.constant 1 : i32
        %add3A_376 = arith.addi %add3A_246, %add3A_375 : i32
        %mul3A_377 = arith.constant 8 : i32
        %mul3A_378 = arith.muli %add3A_376, %mul3A_377 : i32
        %add3A_379 = arith.addi %mul3A_2, %mul3A_378 : i32
        %dma_start3A_380 = arith.constant 1 : i32
        %dma_start3A_381 = arith.constant 0 : i32
        %dma_start3A_382 = tpu.memref_slice %arg2[%dma_start3A_380, %add3A_379, %dma_start3A_381] : memref<4x8192x1024xf32, #tpu.memory_space<hbm>> -> memref<1x8x1024xf32, #tpu.memory_space<hbm>>
        %dma_start3A_383 = tpu.memref_squeeze %dma_start3A_382 : memref<1x8x1024xf32, #tpu.memory_space<hbm>> -> memref<8x1024xf32, #tpu.memory_space<hbm>>
        %dma_start3A_384 = arith.constant 0 : i32
        %dma_start3A_385 = tpu.memref_slice %arg2[%dma_start3A_380, %add3A_379, %dma_start3A_384] : memref<4x8192x1024xf32, #tpu.memory_space<hbm>> -> memref<1x8x1024xf32, #tpu.memory_space<hbm>>
        %dma_start3A_386 = tpu.memref_squeeze %dma_start3A_385 : memref<1x8x1024xf32, #tpu.memory_space<hbm>> -> memref<8x1024xf32, #tpu.memory_space<hbm>>
        tpu.enqueue_dma source(%dma_start3A_386 : memref<8x1024xf32, #tpu.memory_space<hbm>>) target(%arg8 : memref<8x1024xf32, #tpu.memory_space<vmem>>) target_semaphore(%arg18 : memref<!tpu.dma_semaphore, #tpu.memory_space<semaphore_mem>>)
      } else {
      }
      %mul3A_315 = arith.constant 8 : i32
      %mul3A_316 = arith.muli %add3A_246, %mul3A_315 : i32
      %add3A_317 = arith.addi %mul3A_2, %mul3A_316 : i32
      %dma_wait3A_318 = arith.constant 2 : i32
      %dma_wait3A_319 = arith.constant 0 : i32
      %dma_wait3A_320 = tpu.memref_slice %arg2[%dma_wait3A_318, %add3A_317, %dma_wait3A_319] : memref<4x8192x1024xf32, #tpu.memory_space<hbm>> -> memref<1x8x1024xf32, #tpu.memory_space<hbm>>
      %dma_wait3A_321 = tpu.memref_squeeze %dma_wait3A_320 : memref<1x8x1024xf32, #tpu.memory_space<hbm>> -> memref<8x1024xf32, #tpu.memory_space<hbm>>
      %dma_wait3A_322 = arith.constant 0 : i32
      %dma_wait3A_323 = tpu.memref_slice %arg2[%dma_wait3A_318, %add3A_317, %dma_wait3A_322] : memref<4x8192x1024xf32, #tpu.memory_space<hbm>> -> memref<1x8x1024xf32, #tpu.memory_space<hbm>>
      %dma_wait3A_324 = tpu.memref_squeeze %dma_wait3A_323 : memref<1x8x1024xf32, #tpu.memory_space<hbm>> -> memref<8x1024xf32, #tpu.memory_space<hbm>>
      tpu.wait_dma2 semaphore(%arg23 : memref<!tpu.dma_semaphore, #tpu.memory_space<semaphore_mem>>) src(%dma_wait3A_324 : memref<8x1024xf32, #tpu.memory_space<hbm>>) dst(%arg13 : memref<8x1024xf32, #tpu.memory_space<vmem>>)
      %parallel_loop3A_325 = arith.constant 0 : i32
      %parallel_loop3A_326 = arith.constant 8 : i32
      %parallel_loop3A_327 = arith.constant 1 : i32
      scf.for %parallel_loop3A_371 = %parallel_loop3A_325 to %parallel_loop3A_326 step %parallel_loop3A_327  : i32 {
        %parallel_loop3A_372 = arith.constant 0 : i32
        %parallel_loop3A_373 = arith.constant 64 : i32
        %parallel_loop3A_374 = arith.constant 1 : i32
        scf.for %parallel_loop3A_375 = %parallel_loop3A_372 to %parallel_loop3A_373 step %parallel_loop3A_374  : i32 {
          %parallel_loop3A_376 = arith.constant 16 : i32
          %parallel_loop3A_377 = arith.muli %parallel_loop3A_375, %parallel_loop3A_376 : i32
          %parallel_loop3A_378 = arith.constant 16 : i32
          %parallel_loop3A_379 = arith.muli %parallel_loop3A_375, %parallel_loop3A_378 : i32
          %parallel_loop3A_380 = arith.index_cast %parallel_loop3A_371 : i32 to index
          %parallel_loop3A_381 = arith.index_cast %parallel_loop3A_379 : i32 to index
          %parallel_loop3A_382 = tpu.vector_load %arg6[%parallel_loop3A_380, %parallel_loop3A_381] {strides = array<i32>} : memref<8x1024xf32, #tpu.memory_space<vmem>>, vector<1x16xf32>,
          %parallel_loop3A_383 = vector.shape_cast %parallel_loop3A_382 : vector<1x16xf32> to vector<16xf32>
          %parallel_loop3A_384 = arith.index_cast %parallel_loop3A_371 : i32 to index
          %parallel_loop3A_385 = arith.index_cast %parallel_loop3A_377 : i32 to index
          %parallel_loop3A_386 = tpu.vector_load %arg13[%parallel_loop3A_384, %parallel_loop3A_385] {strides = array<i32>} : memref<8x1024xf32, #tpu.memory_space<vmem>>, vector<1x16xf32>,
          %parallel_loop3A_387 = vector.shape_cast %parallel_loop3A_386 : vector<1x16xf32> to vector<16xf32>
          %parallel_loop3A_388 = vector.shape_cast %parallel_loop3A_383 : vector<16xf32> to vector<1x16xf32>
          tpu.vector_store %arg13[%parallel_loop3A_384, %parallel_loop3A_385], %parallel_loop3A_388 {add = true, strides = array<i32>} : memref<8x1024xf32, #tpu.memory_space<vmem>>, vector<1x16xf32>,
        } {sc.loop_unroll_factor = 8 : i64, sc.parallel_access}
      } {sc.loop_unroll_factor = 1 : i64, sc.parallel_access}
      %mul3A_328 = arith.constant 8 : i32
      %mul3A_329 = arith.muli %add3A_246, %mul3A_328 : i32
      %add3A_330 = arith.addi %mul3A_2, %mul3A_329 : i32
      %dma_start3A_331 = arith.constant 2 : i32
      %dma_start3A_332 = arith.constant 0 : i32
      %dma_start3A_333 = tpu.memref_slice %arg4[%dma_start3A_331, %add3A_330, %dma_start3A_332] : memref<4x8192x1024xf32, #tpu.memory_space<hbm>> -> memref<1x8x1024xf32, #tpu.memory_space<hbm>>
      %dma_start3A_334 = tpu.memref_squeeze %dma_start3A_333 : memref<1x8x1024xf32, #tpu.memory_space<hbm>> -> memref<8x1024xf32, #tpu.memory_space<hbm>>
      %dma_start3A_335 = arith.constant 0 : i32
      %dma_start3A_336 = tpu.memref_slice %arg4[%dma_start3A_331, %add3A_330, %dma_start3A_335] : memref<4x8192x1024xf32, #tpu.memory_space<hbm>> -> memref<1x8x1024xf32, #tpu.memory_space<hbm>>
      %dma_start3A_337 = tpu.memref_squeeze %dma_start3A_336 : memref<1x8x1024xf32, #tpu.memory_space<hbm>> -> memref<8x1024xf32, #tpu.memory_space<hbm>>
      tpu.enqueue_dma source(%arg13 : memref<8x1024xf32, #tpu.memory_space<vmem>>) target(%dma_start3A_337 : memref<8x1024xf32, #tpu.memory_space<hbm>>) target_semaphore(%arg31 : memref<!tpu.dma_semaphore, #tpu.memory_space<semaphore_mem>>)
      %lt3A_338 = arith.constant 31 : i32
      %lt3A_339 = arith.cmpi slt, %add3A_246, %lt3A_338 : i32
      %convert_element_type3A_340 = arith.extui %lt3A_339 : i1 to i32
      %cond3A_341 = arith.constant 0 : i32
      %cond3A_342 = arith.cmpi ne, %convert_element_type3A_340, %cond3A_341 : i32
      scf.if %cond3A_342 {
        %gt3A = arith.constant 0 : i32
        %gt3A_371 = arith.cmpi sgt, %add3A_246, %gt3A : i32
        %convert_element_type3A_372 = arith.extui %gt3A_371 : i1 to i32
        %cond3A_373 = arith.constant 0 : i32
        %cond3A_374 = arith.cmpi ne, %convert_element_type3A_372, %cond3A_373 : i32
        scf.if %cond3A_374 {
          %sub3A = arith.constant 1 : i32
          %sub3A_387 = arith.subi %add3A_246, %sub3A : i32
          %mul3A_388 = arith.constant 8 : i32
          %mul3A_389 = arith.muli %sub3A_387, %mul3A_388 : i32
          %add3A_390 = arith.addi %mul3A_2, %mul3A_389 : i32
          %dma_wait3A_391 = arith.constant 2 : i32
          %dma_wait3A_392 = arith.constant 0 : i32
          %dma_wait3A_393 = tpu.memref_slice %arg4[%dma_wait3A_391, %add3A_390, %dma_wait3A_392] : memref<4x8192x1024xf32, #tpu.memory_space<hbm>> -> memref<1x8x1024xf32, #tpu.memory_space<hbm>>
          %dma_wait3A_394 = tpu.memref_squeeze %dma_wait3A_393 : memref<1x8x1024xf32, #tpu.memory_space<hbm>> -> memref<8x1024xf32, #tpu.memory_space<hbm>>
          %dma_wait3A_395 = arith.constant 0 : i32
          %dma_wait3A_396 = tpu.memref_slice %arg4[%dma_wait3A_391, %add3A_390, %dma_wait3A_395] : memref<4x8192x1024xf32, #tpu.memory_space<hbm>> -> memref<1x8x1024xf32, #tpu.memory_space<hbm>>
          %dma_wait3A_397 = tpu.memref_squeeze %dma_wait3A_396 : memref<1x8x1024xf32, #tpu.memory_space<hbm>> -> memref<8x1024xf32, #tpu.memory_space<hbm>>
          tpu.wait_dma2 semaphore(%arg27 : memref<!tpu.dma_semaphore, #tpu.memory_space<semaphore_mem>>) src(%arg9 : memref<8x1024xf32, #tpu.memory_space<vmem>>) dst(%dma_wait3A_397 : memref<8x1024xf32, #tpu.memory_space<hbm>>)
        } else {
        }
        %add3A_375 = arith.constant 1 : i32
        %add3A_376 = arith.addi %add3A_246, %add3A_375 : i32
        %mul3A_377 = arith.constant 8 : i32
        %mul3A_378 = arith.muli %add3A_376, %mul3A_377 : i32
        %add3A_379 = arith.addi %mul3A_2, %mul3A_378 : i32
        %dma_start3A_380 = arith.constant 2 : i32
        %dma_start3A_381 = arith.constant 0 : i32
        %dma_start3A_382 = tpu.memref_slice %arg2[%dma_start3A_380, %add3A_379, %dma_start3A_381] : memref<4x8192x1024xf32, #tpu.memory_space<hbm>> -> memref<1x8x1024xf32, #tpu.memory_space<hbm>>
        %dma_start3A_383 = tpu.memref_squeeze %dma_start3A_382 : memref<1x8x1024xf32, #tpu.memory_space<hbm>> -> memref<8x1024xf32, #tpu.memory_space<hbm>>
        %dma_start3A_384 = arith.constant 0 : i32
        %dma_start3A_385 = tpu.memref_slice %arg2[%dma_start3A_380, %add3A_379, %dma_start3A_384] : memref<4x8192x1024xf32, #tpu.memory_space<hbm>> -> memref<1x8x1024xf32, #tpu.memory_space<hbm>>
        %dma_start3A_386 = tpu.memref_squeeze %dma_start3A_385 : memref<1x8x1024xf32, #tpu.memory_space<hbm>> -> memref<8x1024xf32, #tpu.memory_space<hbm>>
        tpu.enqueue_dma source(%dma_start3A_386 : memref<8x1024xf32, #tpu.memory_space<hbm>>) target(%arg9 : memref<8x1024xf32, #tpu.memory_space<vmem>>) target_semaphore(%arg19 : memref<!tpu.dma_semaphore, #tpu.memory_space<semaphore_mem>>)
      } else {
      }
      %mul3A_343 = arith.constant 8 : i32
      %mul3A_344 = arith.muli %add3A_246, %mul3A_343 : i32
      %add3A_345 = arith.addi %mul3A_2, %mul3A_344 : i32
      %dma_wait3A_346 = arith.constant 3 : i32
      %dma_wait3A_347 = arith.constant 0 : i32
      %dma_wait3A_348 = tpu.memref_slice %arg2[%dma_wait3A_346, %add3A_345, %dma_wait3A_347] : memref<4x8192x1024xf32, #tpu.memory_space<hbm>> -> memref<1x8x1024xf32, #tpu.memory_space<hbm>>
      %dma_wait3A_349 = tpu.memref_squeeze %dma_wait3A_348 : memref<1x8x1024xf32, #tpu.memory_space<hbm>> -> memref<8x1024xf32, #tpu.memory_space<hbm>>
      %dma_wait3A_350 = arith.constant 0 : i32
      %dma_wait3A_351 = tpu.memref_slice %arg2[%dma_wait3A_346, %add3A_345, %dma_wait3A_350] : memref<4x8192x1024xf32, #tpu.memory_space<hbm>> -> memref<1x8x1024xf32, #tpu.memory_space<hbm>>
      %dma_wait3A_352 = tpu.memref_squeeze %dma_wait3A_351 : memref<1x8x1024xf32, #tpu.memory_space<hbm>> -> memref<8x1024xf32, #tpu.memory_space<hbm>>
      tpu.wait_dma2 semaphore(%arg24 : memref<!tpu.dma_semaphore, #tpu.memory_space<semaphore_mem>>) src(%dma_wait3A_352 : memref<8x1024xf32, #tpu.memory_space<hbm>>) dst(%arg14 : memref<8x1024xf32, #tpu.memory_space<vmem>>)
      %parallel_loop3A_353 = arith.constant 0 : i32
      %parallel_loop3A_354 = arith.constant 8 : i32
      %parallel_loop3A_355 = arith.constant 1 : i32
      scf.for %parallel_loop3A_371 = %parallel_loop3A_353 to %parallel_loop3A_354 step %parallel_loop3A_355  : i32 {
        %parallel_loop3A_372 = arith.constant 0 : i32
        %parallel_loop3A_373 = arith.constant 64 : i32
        %parallel_loop3A_374 = arith.constant 1 : i32
        scf.for %parallel_loop3A_375 = %parallel_loop3A_372 to %parallel_loop3A_373 step %parallel_loop3A_374  : i32 {
          %parallel_loop3A_376 = arith.constant 16 : i32
          %parallel_loop3A_377 = arith.muli %parallel_loop3A_375, %parallel_loop3A_376 : i32
          %parallel_loop3A_378 = arith.constant 16 : i32
          %parallel_loop3A_379 = arith.muli %parallel_loop3A_375, %parallel_loop3A_378 : i32
          %parallel_loop3A_380 = arith.index_cast %parallel_loop3A_371 : i32 to index
          %parallel_loop3A_381 = arith.index_cast %parallel_loop3A_379 : i32 to index
          %parallel_loop3A_382 = tpu.vector_load %arg6[%parallel_loop3A_380, %parallel_loop3A_381] {strides = array<i32>} : memref<8x1024xf32, #tpu.memory_space<vmem>>, vector<1x16xf32>,
          %parallel_loop3A_383 = vector.shape_cast %parallel_loop3A_382 : vector<1x16xf32> to vector<16xf32>
          %parallel_loop3A_384 = arith.index_cast %parallel_loop3A_371 : i32 to index
          %parallel_loop3A_385 = arith.index_cast %parallel_loop3A_377 : i32 to index
          %parallel_loop3A_386 = tpu.vector_load %arg14[%parallel_loop3A_384, %parallel_loop3A_385] {strides = array<i32>} : memref<8x1024xf32, #tpu.memory_space<vmem>>, vector<1x16xf32>,
          %parallel_loop3A_387 = vector.shape_cast %parallel_loop3A_386 : vector<1x16xf32> to vector<16xf32>
          %parallel_loop3A_388 = vector.shape_cast %parallel_loop3A_383 : vector<16xf32> to vector<1x16xf32>
          tpu.vector_store %arg14[%parallel_loop3A_384, %parallel_loop3A_385], %parallel_loop3A_388 {add = true, strides = array<i32>} : memref<8x1024xf32, #tpu.memory_space<vmem>>, vector<1x16xf32>,
        } {sc.loop_unroll_factor = 8 : i64, sc.parallel_access}
      } {sc.loop_unroll_factor = 1 : i64, sc.parallel_access}
      %mul3A_356 = arith.constant 8 : i32
      %mul3A_357 = arith.muli %add3A_246, %mul3A_356 : i32
      %add3A_358 = arith.addi %mul3A_2, %mul3A_357 : i32
      %dma_start3A_359 = arith.constant 3 : i32
      %dma_start3A_360 = arith.constant 0 : i32
      %dma_start3A_361 = tpu.memref_slice %arg4[%dma_start3A_359, %add3A_358, %dma_start3A_360] : memref<4x8192x1024xf32, #tpu.memory_space<hbm>> -> memref<1x8x1024xf32, #tpu.memory_space<hbm>>
      %dma_start3A_362 = tpu.memref_squeeze %dma_start3A_361 : memref<1x8x1024xf32, #tpu.memory_space<hbm>> -> memref<8x1024xf32, #tpu.memory_space<hbm>>
      %dma_start3A_363 = arith.constant 0 : i32
      %dma_start3A_364 = tpu.memref_slice %arg4[%dma_start3A_359, %add3A_358, %dma_start3A_363] : memref<4x8192x1024xf32, #tpu.memory_space<hbm>> -> memref<1x8x1024xf32, #tpu.memory_space<hbm>>
      %dma_start3A_365 = tpu.memref_squeeze %dma_start3A_364 : memref<1x8x1024xf32, #tpu.memory_space<hbm>> -> memref<8x1024xf32, #tpu.memory_space<hbm>>
      tpu.enqueue_dma source(%arg14 : memref<8x1024xf32, #tpu.memory_space<vmem>>) target(%dma_start3A_365 : memref<8x1024xf32, #tpu.memory_space<hbm>>) target_semaphore(%arg32 : memref<!tpu.dma_semaphore, #tpu.memory_space<semaphore_mem>>)
      %lt3A_366 = arith.constant 31 : i32
      %lt3A_367 = arith.cmpi slt, %add3A_246, %lt3A_366 : i32
      %convert_element_type3A_368 = arith.extui %lt3A_367 : i1 to i32
      %cond3A_369 = arith.constant 0 : i32
      %cond3A_370 = arith.cmpi ne, %convert_element_type3A_368, %cond3A_369 : i32
      scf.if %cond3A_370 {
        %gt3A = arith.constant 0 : i32
        %gt3A_371 = arith.cmpi sgt, %add3A_246, %gt3A : i32
        %convert_element_type3A_372 = arith.extui %gt3A_371 : i1 to i32
        %cond3A_373 = arith.constant 0 : i32
        %cond3A_374 = arith.cmpi ne, %convert_element_type3A_372, %cond3A_373 : i32
        scf.if %cond3A_374 {
          %sub3A = arith.constant 1 : i32
          %sub3A_387 = arith.subi %add3A_246, %sub3A : i32
          %mul3A_388 = arith.constant 8 : i32
          %mul3A_389 = arith.muli %sub3A_387, %mul3A_388 : i32
          %add3A_390 = arith.addi %mul3A_2, %mul3A_389 : i32
          %dma_wait3A_391 = arith.constant 3 : i32
          %dma_wait3A_392 = arith.constant 0 : i32
          %dma_wait3A_393 = tpu.memref_slice %arg4[%dma_wait3A_391, %add3A_390, %dma_wait3A_392] : memref<4x8192x1024xf32, #tpu.memory_space<hbm>> -> memref<1x8x1024xf32, #tpu.memory_space<hbm>>
          %dma_wait3A_394 = tpu.memref_squeeze %dma_wait3A_393 : memref<1x8x1024xf32, #tpu.memory_space<hbm>> -> memref<8x1024xf32, #tpu.memory_space<hbm>>
          %dma_wait3A_395 = arith.constant 0 : i32
          %dma_wait3A_396 = tpu.memref_slice %arg4[%dma_wait3A_391, %add3A_390, %dma_wait3A_395] : memref<4x8192x1024xf32, #tpu.memory_space<hbm>> -> memref<1x8x1024xf32, #tpu.memory_space<hbm>>
          %dma_wait3A_397 = tpu.memref_squeeze %dma_wait3A_396 : memref<1x8x1024xf32, #tpu.memory_space<hbm>> -> memref<8x1024xf32, #tpu.memory_space<hbm>>
          tpu.wait_dma2 semaphore(%arg28 : memref<!tpu.dma_semaphore, #tpu.memory_space<semaphore_mem>>) src(%arg10 : memref<8x1024xf32, #tpu.memory_space<vmem>>) dst(%dma_wait3A_397 : memref<8x1024xf32, #tpu.memory_space<hbm>>)
        } else {
        }
        %add3A_375 = arith.constant 1 : i32
        %add3A_376 = arith.addi %add3A_246, %add3A_375 : i32
        %mul3A_377 = arith.constant 8 : i32
        %mul3A_378 = arith.muli %add3A_376, %mul3A_377 : i32
        %add3A_379 = arith.addi %mul3A_2, %mul3A_378 : i32
        %dma_start3A_380 = arith.constant 3 : i32
        %dma_start3A_381 = arith.constant 0 : i32
        %dma_start3A_382 = tpu.memref_slice %arg2[%dma_start3A_380, %add3A_379, %dma_start3A_381] : memref<4x8192x1024xf32, #tpu.memory_space<hbm>> -> memref<1x8x1024xf32, #tpu.memory_space<hbm>>
        %dma_start3A_383 = tpu.memref_squeeze %dma_start3A_382 : memref<1x8x1024xf32, #tpu.memory_space<hbm>> -> memref<8x1024xf32, #tpu.memory_space<hbm>>
        %dma_start3A_384 = arith.constant 0 : i32
        %dma_start3A_385 = tpu.memref_slice %arg2[%dma_start3A_380, %add3A_379, %dma_start3A_384] : memref<4x8192x1024xf32, #tpu.memory_space<hbm>> -> memref<1x8x1024xf32, #tpu.memory_space<hbm>>
        %dma_start3A_386 = tpu.memref_squeeze %dma_start3A_385 : memref<1x8x1024xf32, #tpu.memory_space<hbm>> -> memref<8x1024xf32, #tpu.memory_space<hbm>>
        tpu.enqueue_dma source(%dma_start3A_386 : memref<8x1024xf32, #tpu.memory_space<hbm>>) target(%arg10 : memref<8x1024xf32, #tpu.memory_space<vmem>>) target_semaphore(%arg20 : memref<!tpu.dma_semaphore, #tpu.memory_space<semaphore_mem>>)
      } else {
      }
    }
    %scan3A_48 = arith.constant 16 : i32
    %add3A_49 = arith.constant 240 : i32
    %add3A_50 = arith.addi %mul3A_2, %add3A_49 : i32
    %dma_wait3A = arith.constant 0 : i32
    %dma_wait3A_51 = arith.constant 0 : i32
    %dma_wait3A_52 = tpu.memref_slice %arg4[%dma_wait3A, %add3A_50, %dma_wait3A_51] : memref<4x8192x1024xf32, #tpu.memory_space<hbm>> -> memref<1x8x1024xf32, #tpu.memory_space<hbm>>
    %dma_wait3A_53 = tpu.memref_squeeze %dma_wait3A_52 : memref<1x8x1024xf32, #tpu.memory_space<hbm>> -> memref<8x1024xf32, #tpu.memory_space<hbm>>
    %dma_wait3A_54 = arith.constant 0 : i32
    %dma_wait3A_55 = tpu.memref_slice %arg4[%dma_wait3A, %add3A_50, %dma_wait3A_54] : memref<4x8192x1024xf32, #tpu.memory_space<hbm>> -> memref<1x8x1024xf32, #tpu.memory_space<hbm>>
    %dma_wait3A_56 = tpu.memref_squeeze %dma_wait3A_55 : memref<1x8x1024xf32, #tpu.memory_space<hbm>> -> memref<8x1024xf32, #tpu.memory_space<hbm>>
    tpu.wait_dma2 semaphore(%arg25 : memref<!tpu.dma_semaphore, #tpu.memory_space<semaphore_mem>>) src(%arg7 : memref<8x1024xf32, #tpu.memory_space<vmem>>) dst(%dma_wait3A_56 : memref<8x1024xf32, #tpu.memory_space<hbm>>)
    %add3A_57 = arith.constant 248 : i32
    %add3A_58 = arith.addi %mul3A_2, %add3A_57 : i32
    %dma_wait3A_59 = arith.constant 0 : i32
    %dma_wait3A_60 = arith.constant 0 : i32
    %dma_wait3A_61 = tpu.memref_slice %arg4[%dma_wait3A_59, %add3A_58, %dma_wait3A_60] : memref<4x8192x1024xf32, #tpu.memory_space<hbm>> -> memref<1x8x1024xf32, #tpu.memory_space<hbm>>
    %dma_wait3A_62 = tpu.memref_squeeze %dma_wait3A_61 : memref<1x8x1024xf32, #tpu.memory_space<hbm>> -> memref<8x1024xf32, #tpu.memory_space<hbm>>
    %dma_wait3A_63 = arith.constant 0 : i32
    %dma_wait3A_64 = tpu.memref_slice %arg4[%dma_wait3A_59, %add3A_58, %dma_wait3A_63] : memref<4x8192x1024xf32, #tpu.memory_space<hbm>> -> memref<1x8x1024xf32, #tpu.memory_space<hbm>>
    %dma_wait3A_65 = tpu.memref_squeeze %dma_wait3A_64 : memref<1x8x1024xf32, #tpu.memory_space<hbm>> -> memref<8x1024xf32, #tpu.memory_space<hbm>>
    tpu.wait_dma2 semaphore(%arg29 : memref<!tpu.dma_semaphore, #tpu.memory_space<semaphore_mem>>) src(%arg11 : memref<8x1024xf32, #tpu.memory_space<vmem>>) dst(%dma_wait3A_65 : memref<8x1024xf32, #tpu.memory_space<hbm>>)
    %add3A_66 = arith.constant 240 : i32
    %add3A_67 = arith.addi %mul3A_2, %add3A_66 : i32
    %dma_wait3A_68 = arith.constant 1 : i32
    %dma_wait3A_69 = arith.constant 0 : i32
    %dma_wait3A_70 = tpu.memref_slice %arg4[%dma_wait3A_68, %add3A_67, %dma_wait3A_69] : memref<4x8192x1024xf32, #tpu.memory_space<hbm>> -> memref<1x8x1024xf32, #tpu.memory_space<hbm>>
    %dma_wait3A_71 = tpu.memref_squeeze %dma_wait3A_70 : memref<1x8x1024xf32, #tpu.memory_space<hbm>> -> memref<8x1024xf32, #tpu.memory_space<hbm>>
    %dma_wait3A_72 = arith.constant 0 : i32
    %dma_wait3A_73 = tpu.memref_slice %arg4[%dma_wait3A_68, %add3A_67, %dma_wait3A_72] : memref<4x8192x1024xf32, #tpu.memory_space<hbm>> -> memref<1x8x1024xf32, #tpu.memory_space<hbm>>
    %dma_wait3A_74 = tpu.memref_squeeze %dma_wait3A_73 : memref<1x8x1024xf32, #tpu.memory_space<hbm>> -> memref<8x1024xf32, #tpu.memory_space<hbm>>
    tpu.wait_dma2 semaphore(%arg26 : memref<!tpu.dma_semaphore, #tpu.memory_space<semaphore_mem>>) src(%arg8 : memref<8x1024xf32, #tpu.memory_space<vmem>>) dst(%dma_wait3A_74 : memref<8x1024xf32, #tpu.memory_space<hbm>>)
    %add3A_75 = arith.constant 248 : i32
    %add3A_76 = arith.addi %mul3A_2, %add3A_75 : i32
    %dma_wait3A_77 = arith.constant 1 : i32
    %dma_wait3A_78 = arith.constant 0 : i32
    %dma_wait3A_79 = tpu.memref_slice %arg4[%dma_wait3A_77, %add3A_76, %dma_wait3A_78] : memref<4x8192x1024xf32, #tpu.memory_space<hbm>> -> memref<1x8x1024xf32, #tpu.memory_space<hbm>>
    %dma_wait3A_80 = tpu.memref_squeeze %dma_wait3A_79 : memref<1x8x1024xf32, #tpu.memory_space<hbm>> -> memref<8x1024xf32, #tpu.memory_space<hbm>>
    %dma_wait3A_81 = arith.constant 0 : i32
    %dma_wait3A_82 = tpu.memref_slice %arg4[%dma_wait3A_77, %add3A_76, %dma_wait3A_81] : memref<4x8192x1024xf32, #tpu.memory_space<hbm>> -> memref<1x8x1024xf32, #tpu.memory_space<hbm>>
    %dma_wait3A_83 = tpu.memref_squeeze %dma_wait3A_82 : memref<1x8x1024xf32, #tpu.memory_space<hbm>> -> memref<8x1024xf32, #tpu.memory_space<hbm>>
    tpu.wait_dma2 semaphore(%arg30 : memref<!tpu.dma_semaphore, #tpu.memory_space<semaphore_mem>>) src(%arg12 : memref<8x1024xf32, #tpu.memory_space<vmem>>) dst(%dma_wait3A_83 : memref<8x1024xf32, #tpu.memory_space<hbm>>)
    %add3A_84 = arith.constant 240 : i32
    %add3A_85 = arith.addi %mul3A_2, %add3A_84 : i32
    %dma_wait3A_86 = arith.constant 2 : i32
    %dma_wait3A_87 = arith.constant 0 : i32
    %dma_wait3A_88 = tpu.memref_slice %arg4[%dma_wait3A_86, %add3A_85, %dma_wait3A_87] : memref<4x8192x1024xf32, #tpu.memory_space<hbm>> -> memref<1x8x1024xf32, #tpu.memory_space<hbm>>
    %dma_wait3A_89 = tpu.memref_squeeze %dma_wait3A_88 : memref<1x8x1024xf32, #tpu.memory_space<hbm>> -> memref<8x1024xf32, #tpu.memory_space<hbm>>
    %dma_wait3A_90 = arith.constant 0 : i32
    %dma_wait3A_91 = tpu.memref_slice %arg4[%dma_wait3A_86, %add3A_85, %dma_wait3A_90] : memref<4x8192x1024xf32, #tpu.memory_space<hbm>> -> memref<1x8x1024xf32, #tpu.memory_space<hbm>>
    %dma_wait3A_92 = tpu.memref_squeeze %dma_wait3A_91 : memref<1x8x1024xf32, #tpu.memory_space<hbm>> -> memref<8x1024xf32, #tpu.memory_space<hbm>>
    tpu.wait_dma2 semaphore(%arg27 : memref<!tpu.dma_semaphore, #tpu.memory_space<semaphore_mem>>) src(%arg9 : memref<8x1024xf32, #tpu.memory_space<vmem>>) dst(%dma_wait3A_92 : memref<8x1024xf32, #tpu.memory_space<hbm>>)
    %add3A_93 = arith.constant 248 : i32
    %add3A_94 = arith.addi %mul3A_2, %add3A_93 : i32
    %dma_wait3A_95 = arith.constant 2 : i32
    %dma_wait3A_96 = arith.constant 0 : i32
    %dma_wait3A_97 = tpu.memref_slice %arg4[%dma_wait3A_95, %add3A_94, %dma_wait3A_96] : memref<4x8192x1024xf32, #tpu.memory_space<hbm>> -> memref<1x8x1024xf32, #tpu.memory_space<hbm>>
    %dma_wait3A_98 = tpu.memref_squeeze %dma_wait3A_97 : memref<1x8x1024xf32, #tpu.memory_space<hbm>> -> memref<8x1024xf32, #tpu.memory_space<hbm>>
    %dma_wait3A_99 = arith.constant 0 : i32
    %dma_wait3A_100 = tpu.memref_slice %arg4[%dma_wait3A_95, %add3A_94, %dma_wait3A_99] : memref<4x8192x1024xf32, #tpu.memory_space<hbm>> -> memref<1x8x1024xf32, #tpu.memory_space<hbm>>
    %dma_wait3A_101 = tpu.memref_squeeze %dma_wait3A_100 : memref<1x8x1024xf32, #tpu.memory_space<hbm>> -> memref<8x1024xf32, #tpu.memory_space<hbm>>
    tpu.wait_dma2 semaphore(%arg31 : memref<!tpu.dma_semaphore, #tpu.memory_space<semaphore_mem>>) src(%arg13 : memref<8x1024xf32, #tpu.memory_space<vmem>>) dst(%dma_wait3A_101 : memref<8x1024xf32, #tpu.memory_space<hbm>>)
    %add3A_102 = arith.constant 240 : i32
    %add3A_103 = arith.addi %mul3A_2, %add3A_102 : i32
    %dma_wait3A_104 = arith.constant 3 : i32
    %dma_wait3A_105 = arith.constant 0 : i32
    %dma_wait3A_106 = tpu.memref_slice %arg4[%dma_wait3A_104, %add3A_103, %dma_wait3A_105] : memref<4x8192x1024xf32, #tpu.memory_space<hbm>> -> memref<1x8x1024xf32, #tpu.memory_space<hbm>>
    %dma_wait3A_107 = tpu.memref_squeeze %dma_wait3A_106 : memref<1x8x1024xf32, #tpu.memory_space<hbm>> -> memref<8x1024xf32, #tpu.memory_space<hbm>>
    %dma_wait3A_108 = arith.constant 0 : i32
    %dma_wait3A_109 = tpu.memref_slice %arg4[%dma_wait3A_104, %add3A_103, %dma_wait3A_108] : memref<4x8192x1024xf32, #tpu.memory_space<hbm>> -> memref<1x8x1024xf32, #tpu.memory_space<hbm>>
    %dma_wait3A_110 = tpu.memref_squeeze %dma_wait3A_109 : memref<1x8x1024xf32, #tpu.memory_space<hbm>> -> memref<8x1024xf32, #tpu.memory_space<hbm>>
    tpu.wait_dma2 semaphore(%arg28 : memref<!tpu.dma_semaphore, #tpu.memory_space<semaphore_mem>>) src(%arg10 : memref<8x1024xf32, #tpu.memory_space<vmem>>) dst(%dma_wait3A_110 : memref<8x1024xf32, #tpu.memory_space<hbm>>)
    %add3A_111 = arith.constant 248 : i32
    %add3A_112 = arith.addi %mul3A_2, %add3A_111 : i32
    %dma_wait3A_113 = arith.constant 3 : i32
    %dma_wait3A_114 = arith.constant 0 : i32
    %dma_wait3A_115 = tpu.memref_slice %arg4[%dma_wait3A_113, %add3A_112, %dma_wait3A_114] : memref<4x8192x1024xf32, #tpu.memory_space<hbm>> -> memref<1x8x1024xf32, #tpu.memory_space<hbm>>
    %dma_wait3A_116 = tpu.memref_squeeze %dma_wait3A_115 : memref<1x8x1024xf32, #tpu.memory_space<hbm>> -> memref<8x1024xf32, #tpu.memory_space<hbm>>
    %dma_wait3A_117 = arith.constant 0 : i32
    %dma_wait3A_118 = tpu.memref_slice %arg4[%dma_wait3A_113, %add3A_112, %dma_wait3A_117] : memref<4x8192x1024xf32, #tpu.memory_space<hbm>> -> memref<1x8x1024xf32, #tpu.memory_space<hbm>>
    %dma_wait3A_119 = tpu.memref_squeeze %dma_wait3A_118 : memref<1x8x1024xf32, #tpu.memory_space<hbm>> -> memref<8x1024xf32, #tpu.memory_space<hbm>>
    tpu.wait_dma2 semaphore(%arg32 : memref<!tpu.dma_semaphore, #tpu.memory_space<semaphore_mem>>) src(%arg14 : memref<8x1024xf32, #tpu.memory_space<vmem>>) dst(%dma_wait3A_119 : memref<8x1024xf32, #tpu.memory_space<hbm>>)
    return
  }
}

</mosaic_0001>

<sc_bundles>
// kernel: kernel.3.cloned.1.call-start
scs
__scs_entry_jumppad:
0x0: {  	(pc) =	sbr.rel $0x88, $3  }
0x1: {  	(tag) =	ssettag $0x0;
	lr =	simm.s32 $0x1  }
0x2: {  	[smem:$0x3F9F] =	sst lr;
	_ =	strace $0xD0000000  }
0x3: {  	_ = 	snop  }
0x4: {  	_ = 	snop  }
0x5: {  	_ = 	snop  }
0x6: {  	_ = 	snop  }
0x7: {  	_ = 	snop  }
__scs_overlays_trampoline_lowered:
0x8: {  	[smem:$0x3FAE] =	sst s0  }
0x9: {  	[smem:$0x3FAF] =	sst s1  }
0xa: {  	[smem:$0x3FB0] =	sst s2  }
0xb: {  	[smem:$0x3FB1] =	sst s3  }
0xc: {  	[smem:$0x3FB2] =	sst s4  }
0xd: {  	[smem:$0x3FB3] =	sst s5  }
0xe: {  	[smem:$0x3FB4] =	sst s6  }
0xf: {  	[smem:$0x3FB5] =	sst s7  }
0x10: {  	[smem:$0x3FB6] =	sst s8  }
0x11: {  	[smem:$0x3FB7] =	sst s9;
	s0 =	simm.s32 @!p0 $0x0  }
0x12: {  	s1 =	sld [smem:$0x3F9D];
	s0 =	simm.s32 @p0 $0x1  }
0x13: {  	[smem:$0x3FB8] =	sst s0;
	s0 =	simm.s32 @!p1 $0x0  }
0x14: {  	s2 =	sld [smem:$0x3F9C];
	s0 =	simm.s32 @p1 $0x1  }
0x15: {  	[smem:$0x3FB9] =	sst s0;
	s0 =	simm.s32 @!p2 $0x0  }
0x16: {  	s3 =	sld [smem:$0x3FDB];
	s0 =	simm.s32 @p2 $0x1  }
0x17: {  	s4 =	simm.s32 $0x1BF5;
	[smem:$0x3FBB] =	sst s0  }
0x18: {  	s0 =	sld [smem:$0x3F9E];
	_ =	swait.ge [sflag:s4], $0x0  }
0x19: {  	s7 =	sld [smem:$0x3F9F]  }
0x1a: {  	s8 =	sadd.s32 $0xFFFFE003, lr  }
0x1b: {  	s9 =	sadd.s32 $0xFFFFFEF7, lr;
	s5 =	simm.s32 $0xFFFFFFFF;
	p2 =	slt.u32 s8, $0xFFFFF086  }
0x1c: {  	p1 =	slt.u32 s9, $0xF7A;
	s5 =	simm.s32 @!p2 $0x0  }
0x1d: {  	s5 =	simm.s32 @p1 $0x1;
	p0 =	seq.s32 s7, s2  }
0x1e: {  	s7 =	smul.u32 @!p0 $0xF7A, s2;
	p2 =	seq.s32 @!p0 s5, $0x0  }
0x1f: {  	s9 =	smul.u32 $0xF7A, s1;
	s8 =	simm.s32 @!p0 $0x1BF5;
	p2 =	por !p2, p0  }
0x20: {  	[sflag:s8] =	ssyncset.s32 @!p0 $0xFFFFF086;
	s6 =	sadd.s32 @!p0 s3, s7;
	s7 =	simm.s32 @!p0 $0x108  }
0x21: {  	s3 =	sadd.s32 s3, s9;
	s6 =	sadd.s32 @!p0 $0x88, s6;
	s7 =	simm.s32 @p2 $0x1082  }
0x22: {  	[simem:s7], [sflag:s8] =	dma.local @!p0 [hbm:s6], $0xF7A  }
0x23: {  	s9 =	sor.u32 $0xD0000000, s2;
	s6 =	simm.s32 $0x108;
	_ =	swait.ge @!p0 [sflag:s8], $0x0  }
0x24: {  	s3 =	sadd.s32 $0x88, s3;
	s6 =	simm.s32 @!p1 $0x1082;
	[sflag:s4] =	ssyncset.s32 $0xFFFFF086  }
0x25: {  	[simem:s6], [sflag:s4] =	dma.local [hbm:s3], $0xF7A  }
0x26: {  	[smem:$0x3F9F] =	sst s1;
	(tag) =	ssettag s2;
	_ =	strace s9  }
0x27: {  	s1 =	sld [smem:$0x3FAF]  }
0x28: {  	s2 =	sld [smem:$0x3FB0]  }
0x29: {  	s4 =	sld [smem:$0x3FB2]  }
0x2a: {  	p0 =	seq.s32 s5, $0x0;
	s5 =	sld [smem:$0x3FB3]  }
0x2b: {  	s6 =	sld [smem:$0x3FB4]  }
0x2c: {  	s7 =	sld [smem:$0x3FB5]  }
0x2d: {  	s3 =	simm.s32 $0x108;
	s8 =	sld [smem:$0x3FB6]  }
0x2e: {  	s3 =	simm.s32 @!p0 $0x1082;
	s9 =	sld [smem:$0x3FB7]  }
0x2f: {  	lr =	sadd.s32 s0, s3;
	s0 =	sld [smem:$0x3FAE]  }
0x30: {  	s3 =	sld [smem:$0x3FB1]  }
0x31: {  	[smem:$0x3FBA] =	sst s10  }
0x32: {  	s10 =	sld [smem:$0x3FB8];
	_ =	sdelay $0x3  }
0x33: {  	p0 =	seq.s32 s10, $0x1;
	s10 =	sld [smem:$0x3FBA];
	_ =	sdelay $0x3  }
0x34: {  	[smem:$0x3FBA] =	sst s10  }
0x35: {  	s10 =	sld [smem:$0x3FB9];
	_ =	sdelay $0x3  }
0x36: {  	p1 =	seq.s32 s10, $0x1;
	s10 =	sld [smem:$0x3FBA];
	_ =	sdelay $0x3  }
0x37: {  	[smem:$0x3FBA] =	sst s10  }
0x38: {  	s10 =	sld [smem:$0x3FBB]  }
0x39: {  	_ = 	snop;
	(pc) =	sbr.ind lr, $3  }
0x3a: {  	_ = 	snop  }
0x3b: {  	_ = 	snop  }
0x3c: {  	p2 =	seq.s32 s10, $0x1;
	s10 =	sld [smem:$0x3FBA]  }
0x3d: {  	_ =	shalt  }
0x3e: {  	_ =	shalt  }
0x3f: {  	_ =	shalt  }
0x40: {  	_ =	shalt  }
0x41: {  	_ =	shalt  }
0x42: {  	_ =	shalt  }
0x43: {  	_ =	shalt  }
0x44: {  	_ =	shalt  }
0x45: {  	_ =	shalt  }
0x46: {  	_ =	shalt  }
0x47: {  	_ =	shalt  }
0x48: {  	_ =	shalt  }
0x49: {  	_ =	shalt  }
0x4a: {  	_ =	shalt  }
0x4b: {  	_ =	shalt  }
0x4c: {  	_ =	shalt  }
0x4d: {  	_ =	shalt  }
0x4e: {  	_ =	shalt  }
0x4f: {  	_ =	shalt  }
0x50: {  	_ =	shalt  }
0x51: {  	_ =	shalt  }
0x52: {  	_ =	shalt  }
0x53: {  	_ =	shalt  }
0x54: {  	_ =	shalt  }
0x55: {  	_ =	shalt  }
0x56: {  	_ =	shalt  }
0x57: {  	_ =	shalt  }
0x58: {  	_ =	shalt  }
0x59: {  	_ =	shalt  }
0x5a: {  	_ =	shalt  }
0x5b: {  	_ =	shalt  }
0x5c: {  	_ =	shalt  }
0x5d: {  	_ =	shalt  }
0x5e: {  	_ =	shalt  }
0x5f: {  	_ =	shalt  }
0x60: {  	_ =	shalt  }
0x61: {  	_ =	shalt  }
0x62: {  	_ =	shalt  }
0x63: {  	_ =	shalt  }
0x64: {  	_ =	shalt  }
0x65: {  	_ =	shalt  }
0x66: {  	_ =	shalt  }
0x67: {  	_ =	shalt  }
0x68: {  	_ =	shalt  }
0x69: {  	_ =	shalt  }
0x6a: {  	_ =	shalt  }
0x6b: {  	_ =	shalt  }
0x6c: {  	_ =	shalt  }
0x6d: {  	_ =	shalt  }
0x6e: {  	_ =	shalt  }
0x6f: {  	_ =	shalt  }
0x70: {  	_ =	shalt  }
0x71: {  	_ =	shalt  }
0x72: {  	_ =	shalt  }
0x73: {  	_ =	shalt  }
0x74: {  	_ =	shalt  }
0x75: {  	_ =	shalt  }
0x76: {  	_ =	shalt  }
0x77: {  	_ =	shalt  }
0x78: {  	_ =	shalt  }
0x79: {  	_ =	shalt  }
0x7a: {  	_ =	shalt  }
0x7b: {  	_ =	shalt  }
0x7c: {  	_ =	shalt  }
0x7d: {  	_ =	shalt  }
0x7e: {  	_ =	shalt  }
0x7f: {  	_ =	shalt  }
0x80: {  	_ =	shalt  }
0x81: {  	_ =	shalt  }
0x82: {  	_ =	shalt  }
0x83: {  	_ =	shalt  }
0x84: {  	_ =	shalt  }
0x85: {  	_ =	shalt  }
0x86: {  	_ =	shalt  }
0x87: {  	_ =	shalt  }
.Lfunc_end0:
.L_simem_size_0:
called_computation_lowered:
.L_overlay_start_0:
0x88: {  	s2 =	sld [smem:$0x3FD9]  }
0x89: {  	s3 =	sld [smem:$0x3FFE];
	_ =	sdelay $0x1  }
0x8a: {  	s1 =	srdreg.scid  }
0x8b: {  	s0 =	sand.u32 $0x1, s1  }
0x8c: {  	s18 =	sshll.u32 s0, $0xA;
	s2 =	sadd.s32 s3, s2  }
0x8d: {  	s2 =	sadd.s32 s2, s18  }
0x8e: {  	[smem:$0x3FC6] =	sst s2  }
0x8f: {  	_ = 	snop  }
0x90: {  	s2 =	sld [smem:$0x3FC9]  }
0x91: {  	s19 =	sld [smem:$0x3FC8]  }
0x92: {  	s4 =	sld [smem:$0x3FD0];
	(tm) =	ssettm $0x1  }
0x93: {  	s5 =	sld [smem:$0x3FFB];
	_ =	sdelay $0x3  }
0x94: {  	_ =	strace s5  }
0x95: {  	s5 =	sld [smem:$0x3FFC];
	_ =	sdelay $0x3  }
0x96: {  	_ =	strace s5  }
0x97: {  	s5 =	sld [smem:$0x3FFD];
	_ =	sdelay $0x3  }
0x98: {  	_ =	strace s5  }
0x99: {  	_ =	strace $0x8FFFFFFF  }
0x9a: {  	s20 =	sld [smem:$0x3FDB];
	_ =	sdelay $0x1  }
0x9b: {  	s6 =	simm.s32 $_scs_section_size  }
0x9c: {  	s7 =	simm.s32 $_size__tile_overlayer_lowered;
	s8 =	simm.s32 $_tile_overlayer_lowered  }
0x9d: {  	s23 =	simm.s32 $0x1BFF;
	s22 =	sshll.u32 s8, $0x1;
	s5 =	sadd.s32 s6, s20  }
0x9e: {  	s9 =	simm.s32 $0x0;
	s21 =	sshll.u32 s7, $0x1;
	s7 =	sadd.s32 s22, s5  }
0x9f: {  	[timem:s9], [sflag:s23] =	dma.local [hbm:s7], s21  }
0xa0: {  	_ =	swait.ge [sflag:s23], s21  }
0xa1: {  	s6 =	ssub.s32 $0x0, s21;
	[sflag:s23] =	ssyncset.done $0x0  }
0xa2: {  	[sflag:s23] =	ssyncadd.s32 s6;
	_ =	sdelay $0x1  }
0xa3: {  	s24 =	simm.s32 $0x1B8B  }
0xa4: {  	_ =	swait.ge [sflag:s24], $0x1  }
0xa5: {  	[sflag:s24] =	ssyncset.done $0x0  }
0xa6: {  	s25 =	simm.s32 $0x1B8E;
	[sflag:s24] =	ssyncadd.s32 $0xFFFFFFFF  }
0xa7: {  	s26 =	simm.s32 $execute0_lowered;
	[smem:$0x3FD2] =	sst s25  }
0xa8: {  	s6 =	sshll.u32 s26, $0x1;
	_ =	strace $0x80000046;
	[dreg:$0x1] =	wrdreg $0xFFFFFFFF  }
0xa9: {  	s28 =	simm.s32 $_size_execute0_lowered;
	s5 =	sadd.s32 s5, s6;
	[dreg:$0x0] =	wrdreg $0x0  }
0xaa: {  	s6 =	sshll.u32 s28, $0x1;
	[dreg:$0x2] =	wrdreg s5  }
0xab: {  	[dreg:$0x3] =	wrdreg s6  }
0xac: {  	[dreg:$0x4] =	wrdreg $0xC0  }
0xad: {  	_ =	task [dreg:s9], $0x5FFFF  }
0xae: {  	[dreg:$0x1] =	wrdreg $0xFFFFFFFF  }
0xaf: {  	[dreg:$0x0] =	wrdreg $0x60  }
0xb0: {  	[dreg:$0x2] =	wrdreg s2  }
0xb1: {  	[dreg:$0x3] =	wrdreg s19  }
0xb2: {  	[dreg:$0x4] =	wrdreg s4  }
0xb3: {  	[dreg:$0x5] =	wrdreg $0x9  }
0xb4: {  	_ =	task.clear_ibuf [dreg:s9], $0x6FFFF;
	_ =	strace $0x90000046  }
0xb5: {  	s29 =	simm.s32 $0x9;
	_ =	strace $0x80000048  }
0xb6: {  	_ =	swait.ge [sflag:s29], $0x1  }
0xb7: {  	[sflag:s29] =	ssyncadd.s32 $0xFFFFFFFF  }
0xb8: {  	_ =	strace $0x90000048  }
0xb9: {  	_ =	sfence  }
0xba: {  	s30 =	sld [smem:$0x0];
	_ =	sdelay $0x2  }
0xbb: {  	s31 =	sshll.u32 s1, $0xD;
	s1 =	sshrl.u32 s1, $0x2  }
0xbc: {  	s3 =	sand.u32 $0x4000, s31;
	s1 =	sadd.s32 s1, s30  }
0xbd: {  	s0 =	sor.u32 s3, s0;
	s1 =	sshll.u32 s1, $0x11  }
0xbe: {  	s0 =	sor.u32 s1, s0  }
0xbf: {  	s0 =	sadd.s32 $0x8F2B, s0  }
0xc0: {  	[sflag:s0] =	ssyncadd.remote.s32 $0x1  }
0xc1: {  	_ =	sfence.sel $0xFFFF  }
0xc2: {  	[dreg:$0x0] =	wrdreg $0xFFFFFFFF;
	(pc) =	sbr.abs _section_cstart, $3  }
0xc3: {  	[dreg:$0x1] =	wrdreg $0xFFFFFFFF  }
0xc4: {  	_ =	task.clear_ibuf [dreg:s9], $0x2FFFF;
	_ =	strace $0x9FFFFFFF  }
0xc5: {  	(tm) =	ssettm $0x7FFFFFFF  }
tec
execute0_lowered:
.L_overlay_start_1:
0x0: {  	(tag) =	ssettag $0x1  }
0x1: {  	s17 =	rddreg [dreg:$0x0]  }
0x2: {  	s30 =	rddreg [dreg:$0x1]  }
0x3: {  	s4 =	rddreg [dreg:$0x2];
	s0 =	srdreg.scid;
	s5 =	simm.s32 $0x0  }
0x4: {  	s2 =	stileid.u32;
	s29 =	simm.s32 $0x3;
	s31 =	simm.s32 $0x4  }
0x5: {  	s8 =	simm.s32 $0x10000;
	s9 =	simm.s32 $0x6;
	s11 =	simm.s32 $0x12000  }
0x6: {  	s0 =	sand.u32 $0x1, s0;
	s2 =	sshll.u32 s2, $0x9;
	[smem:$0x7FF] =	sst s5  }
0x7: {  	s23 =	sadd.s32 $0x100000, s4;
	s24 =	sadd.s32 $0x200000, s4;
	s1 =	ssub.s32 $0x2, s0  }
0x8: {  	s0 =	sshll.u32 s0, $0x8;
	_ =	strace $0x80000047;
	[dreg:$0xb] =	wrdreg s23  }
0x9: {  	s14 =	simm.s32 $0x2;
	[dreg:$0xc] =	wrdreg s24;
	s2 =	sor.u32 s0, s2  }
0xa: {  	s15 =	simm.s32 $0x7;
	s18 =	sshll.u32 s2, $0x7;
	[dreg:$0x4] =	wrdreg s2  }
0xb: {  	s28 =	simm.s32 $0x9;
	s25 =	sor.u32 $0x10, s2;
	[dreg:$0x5] =	wrdreg s18  }
0xc: {  	s6 =	simm.s32 $0x0;
	s26 =	sshrl.u32 s2, $0x3;
	[dreg:$0xd] =	wrdreg s25  }
0xd: {  	s10 =	sadd.s32 $0x100000, s17;
	s19 =	sadd.s32 s30, s18;
	[dreg:$0xe] =	wrdreg s26  }
0xe: {  	s12 =	sadd.s32 $0x200000, s17;
	s20 =	sadd.s32 s17, s18;
	[dreg:$0x6] =	wrdreg s19  }
0xf: {  	s13 =	sadd.s32 $0x300000, s17;
	s21 =	sadd.s32 s18, s10;
	[dreg:$0x7] =	wrdreg s20  }
0x10: {  	s3 =	sshrl.u32 s1, $0x1;
	s22 =	sadd.s32 s18, s12;
	[dreg:$0x8] =	wrdreg s21  }
0x11: {  	s16 =	ssub.s32 s1, s3;
	s1 =	sadd.s32 s18, s13;
	[dreg:$0x9] =	wrdreg s22  }
0x12: {  	s3 =	simm.s32 $0x5;
	s0 =	smax.u32 s16, $0x1;
	[dreg:$0xa] =	wrdreg s1  }
0x13: {  	s18 =	sadd.s32 $0x300000, s4;
	s26 =	simm.s32 $0x1;
	[dreg:$0xf] =	wrdreg s0  }
0x14: {  	s0 =	simm.s32 $0xE000;
	s21 =	simm.s32 $0x8;
	s22 =	simm.s32 $0xA  }
.LBB2_1:
0x15: {  	[dreg:$0x10] =	wrdreg s6  }
0x16: {  	s1 =	rddreg [dreg:$0x6]  }
0x17: {  	[tilespmem:s5], [sflag:$0x1] =	stream.linear.gather [hbm4b:s1+s5], $0x2000, $0x38;
	[tilespmem:$0x14000] =	vst v63  }
0x18: {  	s7 =	rddreg [dreg:$0x7];
	s2 =	simm.s32 $0x4000  }
0x19: {  	[tilespmem:s2], [sflag:$0x3] =	stream.linear.gather [hbm4b:s7+s5], $0x2000, $0x38;
	[tilespmem:$0x14000] =	vst v63  }
0x1a: {  	s16 =	rddreg [dreg:$0x8];
	s19 =	simm.s32 $0x6000  }
0x1b: {  	[tilespmem:s19], [sflag:$0x4] =	stream.linear.gather [hbm4b:s16+s5], $0x2000, $0x38;
	[tilespmem:$0x14000] =	vst v63  }
0x1c: {  	s20 =	rddreg [dreg:$0x9];
	s23 =	simm.s32 $0x8000  }
0x1d: {  	[tilespmem:s23], [sflag:$0x5] =	stream.linear.gather [hbm4b:s20+s5], $0x2000, $0x38;
	[tilespmem:$0x14000] =	vst v63  }
0x1e: {  	s24 =	rddreg [dreg:$0xa];
	s25 =	simm.s32 $0xA000;
	s23 =	simm.s32 $0x0  }
0x1f: {  	[tilespmem:s25], [sflag:$0x6] =	stream.linear.gather [hbm4b:s24+s5], $0x2000, $0x38;
	[tilespmem:$0x14000] =	vst v63  }
.LBB2_2:
0x20: {  	s24 =	sshll.u32 s23, $0x4;
	s1 =	rddreg [dreg:$0x4]  }
0x21: {  	s1 =	sor.u32 s24, s1  }
0x22: {  	_ =	swait.ge [sflag:s26], $0x2000;
	s1 =	sshll.u32 s1, $0x7  }
0x23: {  	s6 =	simm.s32 $0x2000;
	[sflag:s26] =	ssyncset.done $0x0;
	s25 =	sor.u32 $0x400, s1  }
0x24: {  	[sflag:s26] =	ssyncadd.s32 $0xFFFFE000;
	s1 =	simm.s32 $0x0;
	s2 =	sadd.s32 s30, s25  }
0x25: {  	[tilespmem:s6], [sflag:$0x2] =	stream.linear.gather [hbm4b:s2+s1], $0x2000, $0x38;
	[tilespmem:$0x14000] =	vst v63  }
0x26: {  	_ =	swait.ge [sflag:s29], $0x2000  }
0x27: {  	[sflag:s29] =	ssyncset.done $0x0  }
0x28: {  	s2 =	simm.s32 $0x0;
	[sflag:s29] =	ssyncadd.s32 $0xFFFFE000  }
.LBB2_3:
0x29: {  	s6 =	sshra.s32 s1, $0x2  }
0x2a: {  	v0 =	vld [tilespmem:s6+$0x70]  }
0x2b: {  	v1 =	vld [tilespmem:s6+$0x0]  }
0x2c: {  	v2 =	vld [tilespmem:s6+$0x10]  }
0x2d: {  	v3 =	vld [tilespmem:s6+$0x20]  }
0x2e: {  	v4 =	vld [tilespmem:s6+$0x30]  }
0x2f: {  	v5 =	vld [tilespmem:s6+$0x40]  }
0x30: {  	v6 =	vld [tilespmem:s6+$0x50]  }
0x31: {  	[tilespmem:s6+$0x4070] =	vst.add.f32.msk $0xffff, v0  }
0x32: {  	v0 =	vld [tilespmem:s6+$0x60]  }
0x33: {  	[tilespmem:s6+$0x4000] =	vst.add.f32.msk $0xffff, v1  }
0x34: {  	[tilespmem:s6+$0x4010] =	vst.add.f32.msk $0xffff, v2  }
0x35: {  	[tilespmem:s6+$0x4020] =	vst.add.f32.msk $0xffff, v3  }
0x36: {  	[tilespmem:s6+$0x4030] =	vst.add.f32.msk $0xffff, v4  }
0x37: {  	[tilespmem:s6+$0x4040] =	vst.add.f32.msk $0xffff, v5  }
0x38: {  	s7 =	simm.s32 $0x0;
	s16 =	sadd.s32 $0x1000, s1;
	[tilespmem:s6+$0x4050] =	vst.add.f32.msk $0xffff, v6  }
.LBB2_4:
0x39: {  	s7 =	sadd.s32 $0x8, s7;
	[tilespmem:s6+$0x4060] =	vst.add.f32.msk $0xffff, v0;
	s6 =	sshra.s32 s16, $0x2  }
0x3a: {  	v0 =	vld [tilespmem:s6+$0x70];
	p0 =	slt.u32 s7, $0x38  }
0x3b: {  	v1 =	vld [tilespmem:s6+$0x0]  }
0x3c: {  	v2 =	vld [tilespmem:s6+$0x10]  }
0x3d: {  	v3 =	vld [tilespmem:s6+$0x20]  }
0x3e: {  	v4 =	vld [tilespmem:s6+$0x30]  }
0x3f: {  	[tilespmem:s6+$0x4070] =	vst.add.f32.msk $0xffff, v0  }
0x40: {  	v5 =	vld [tilespmem:s6+$0x40]  }
0x41: {  	v6 =	vld [tilespmem:s6+$0x50]  }
0x42: {  	v0 =	vld [tilespmem:s6+$0x60]  }
0x43: {  	[tilespmem:s6+$0x4000] =	vst.add.f32.msk $0xffff, v1  }
.Ltmp0:
0x44: {  	[tilespmem:s6+$0x4010] =	vst.add.f32.msk $0xffff, v2;
	(pc) =	sbr.rel @p0 .LBB2_4-.Ltmp0, $4  }
0x45: {  	[tilespmem:s6+$0x4020] =	vst.add.f32.msk $0xffff, v3  }
0x46: {  	[tilespmem:s6+$0x4030] =	vst.add.f32.msk $0xffff, v4  }
0x47: {  	[tilespmem:s6+$0x4040] =	vst.add.f32.msk $0xffff, v5  }
0x48: {  	s16 =	sadd.s32 $0x1000, s16;
	[tilespmem:s6+$0x4050] =	vst.add.f32.msk $0xffff, v6  }
0x49: {  	s2 =	sadd.s32 $0x1, s2  }
0x4a: {  	p0 =	sne.s32 s2, $0x8  }
.Ltmp1:
0x4b: {  	_ = 	snop;
	(pc) =	sbr.rel @p0 .LBB2_3-.Ltmp1, $2  }
0x4c: {  	_ =	sdelay $0x2  }
0x4d: {  	[tilespmem:s6+$0x4060] =	vst.add.f32.msk $0xffff, v0;
	s1 =	sadd.s32 $0x200, s1  }
0x4e: {  	s1 =	sshll.u32 s23, $0xB;
	s2 =	rddreg [dreg:$0x5]  }
0x4f: {  	s2 =	sadd.s32 s2, s1  }
0x50: {  	s6 =	simm.s32 $0x4000;
	p0 =	seq.s32 s23, $0x0;
	s1 =	sadd.s32 s4, s2  }
0x51: {  	[hbm4b:s1+s5] =	stream.linear.scatter [tilespmem:s6], [sflag:$0xB], $0x2000, $0x38;
	[tilespmem:$0x14000] =	vst v63  }
0x52: {  	s1 =	simm.s32 @!p0 $0xF  }
0x53: {  	_ =	swait.ge @!p0 [sflag:s1], $0x2000  }
0x54: {  	s19 =	sadd.s32 s17, s25;
	[sflag:s1] =	ssyncset.done @!p0 $0x0  }
0x55: {  	s7 =	simm.s32 $0xC000;
	s6 =	simm.s32 $0x0;
	[sflag:s1] =	ssyncadd.s32 @!p0 $0xFFFFE000  }
0x56: {  	[tilespmem:s7], [sflag:$0x7] =	stream.linear.gather [hbm4b:s19+s6], $0x2000, $0x38;
	[tilespmem:$0x14000] =	vst v63  }
0x57: {  	_ =	swait.ge [sflag:s31], $0x2000  }
0x58: {  	s20 =	smov.u32 s17;
	[sflag:s31] =	ssyncset.done $0x0  }
0x59: {  	s1 =	sshll.u32 s23, $0x1;
	s7 =	simm.s32 $0x0;
	[sflag:s31] =	ssyncadd.s32 $0xFFFFE000  }
.LBB2_7:
0x5a: {  	s16 =	sshra.s32 s6, $0x2  }
0x5b: {  	v0 =	vld [tilespmem:s16+$0x70]  }
0x5c: {  	v1 =	vld [tilespmem:s16+$0x0]  }
0x5d: {  	v2 =	vld [tilespmem:s16+$0x10]  }
0x5e: {  	v3 =	vld [tilespmem:s16+$0x20]  }
0x5f: {  	v4 =	vld [tilespmem:s16+$0x30]  }
0x60: {  	v5 =	vld [tilespmem:s16+$0x40]  }
0x61: {  	v6 =	vld [tilespmem:s16+$0x50]  }
0x62: {  	[tilespmem:s16+$0x6070] =	vst.add.f32.msk $0xffff, v0  }
0x63: {  	v0 =	vld [tilespmem:s16+$0x60]  }
0x64: {  	[tilespmem:s16+$0x6000] =	vst.add.f32.msk $0xffff, v1  }
0x65: {  	[tilespmem:s16+$0x6010] =	vst.add.f32.msk $0xffff, v2  }
0x66: {  	[tilespmem:s16+$0x6020] =	vst.add.f32.msk $0xffff, v3  }
0x67: {  	[tilespmem:s16+$0x6030] =	vst.add.f32.msk $0xffff, v4  }
0x68: {  	[tilespmem:s16+$0x6040] =	vst.add.f32.msk $0xffff, v5  }
0x69: {  	s17 =	simm.s32 $0x0;
	s19 =	sadd.s32 $0x1000, s6;
	[tilespmem:s16+$0x6050] =	vst.add.f32.msk $0xffff, v6  }
.LBB2_8:
0x6a: {  	s17 =	sadd.s32 $0x8, s17;
	[tilespmem:s16+$0x6060] =	vst.add.f32.msk $0xffff, v0;
	s16 =	sshra.s32 s19, $0x2  }
0x6b: {  	v0 =	vld [tilespmem:s16+$0x70];
	p1 =	slt.u32 s17, $0x38  }
0x6c: {  	v1 =	vld [tilespmem:s16+$0x0]  }
0x6d: {  	v2 =	vld [tilespmem:s16+$0x10]  }
0x6e: {  	v3 =	vld [tilespmem:s16+$0x20]  }
0x6f: {  	v4 =	vld [tilespmem:s16+$0x30]  }
0x70: {  	[tilespmem:s16+$0x6070] =	vst.add.f32.msk $0xffff, v0  }
0x71: {  	v5 =	vld [tilespmem:s16+$0x40]  }
0x72: {  	v6 =	vld [tilespmem:s16+$0x50]  }
0x73: {  	v0 =	vld [tilespmem:s16+$0x60]  }
0x74: {  	[tilespmem:s16+$0x6000] =	vst.add.f32.msk $0xffff, v1  }
.Ltmp2:
0x75: {  	[tilespmem:s16+$0x6010] =	vst.add.f32.msk $0xffff, v2;
	(pc) =	sbr.rel @p1 .LBB2_8-.Ltmp2, $4  }
0x76: {  	[tilespmem:s16+$0x6020] =	vst.add.f32.msk $0xffff, v3  }
0x77: {  	[tilespmem:s16+$0x6030] =	vst.add.f32.msk $0xffff, v4  }
0x78: {  	[tilespmem:s16+$0x6040] =	vst.add.f32.msk $0xffff, v5  }
0x79: {  	s19 =	sadd.s32 $0x1000, s19;
	[tilespmem:s16+$0x6050] =	vst.add.f32.msk $0xffff, v6  }
0x7a: {  	s7 =	sadd.s32 $0x1, s7  }
0x7b: {  	p1 =	sne.s32 s7, $0x8  }
.Ltmp3:
0x7c: {  	_ = 	snop;
	(pc) =	sbr.rel @p1 .LBB2_7-.Ltmp3, $2  }
0x7d: {  	_ =	sdelay $0x2  }
0x7e: {  	[tilespmem:s16+$0x6060] =	vst.add.f32.msk $0xffff, v0;
	s6 =	sadd.s32 $0x200, s6  }
0x7f: {  	s6 =	rddreg [dreg:$0xb]  }
0x80: {  	s7 =	simm.s32 $0x6000;
	s6 =	sadd.s32 s2, s6  }
0x81: {  	[hbm4b:s6+s5] =	stream.linear.scatter [tilespmem:s7], [sflag:$0xC], $0x2000, $0x38;
	[tilespmem:$0x14000] =	vst v63  }
0x82: {  	s6 =	simm.s32 @!p0 $0x10  }
0x83: {  	_ =	swait.ge @!p0 [sflag:s6], $0x2000  }
0x84: {  	[sflag:s6] =	ssyncset.done @!p0 $0x0  }
0x85: {  	s19 =	sadd.s32 s25, s10;
	[sflag:s6] =	ssyncadd.s32 @!p0 $0xFFFFE000;
	s6 =	simm.s32 $0x0  }
0x86: {  	[tilespmem:s0], [sflag:$0x8] =	stream.linear.gather [hbm4b:s19+s6], $0x2000, $0x38;
	[tilespmem:$0x14000] =	vst v63  }
0x87: {  	_ =	swait.ge [sflag:s3], $0x2000  }
0x88: {  	[sflag:s3] =	ssyncset.done $0x0  }
0x89: {  	s7 =	simm.s32 $0x0;
	[sflag:s3] =	ssyncadd.s32 $0xFFFFE000  }
.LBB2_11:
0x8a: {  	s16 =	sshra.s32 s6, $0x2  }
0x8b: {  	v0 =	vld [tilespmem:s16+$0x70]  }
0x8c: {  	v1 =	vld [tilespmem:s16+$0x0]  }
0x8d: {  	v2 =	vld [tilespmem:s16+$0x10]  }
0x8e: {  	v3 =	vld [tilespmem:s16+$0x20]  }
0x8f: {  	v4 =	vld [tilespmem:s16+$0x30]  }
0x90: {  	v5 =	vld [tilespmem:s16+$0x40]  }
0x91: {  	v6 =	vld [tilespmem:s16+$0x50]  }
0x92: {  	[tilespmem:s16+$0x8070] =	vst.add.f32.msk $0xffff, v0  }
0x93: {  	v0 =	vld [tilespmem:s16+$0x60]  }
0x94: {  	[tilespmem:s16+$0x8000] =	vst.add.f32.msk $0xffff, v1  }
0x95: {  	[tilespmem:s16+$0x8010] =	vst.add.f32.msk $0xffff, v2  }
0x96: {  	[tilespmem:s16+$0x8020] =	vst.add.f32.msk $0xffff, v3  }
0x97: {  	[tilespmem:s16+$0x8030] =	vst.add.f32.msk $0xffff, v4  }
0x98: {  	[tilespmem:s16+$0x8040] =	vst.add.f32.msk $0xffff, v5  }
0x99: {  	s17 =	simm.s32 $0x0;
	s19 =	sadd.s32 $0x1000, s6;
	[tilespmem:s16+$0x8050] =	vst.add.f32.msk $0xffff, v6  }
.LBB2_12:
0x9a: {  	s17 =	sadd.s32 $0x8, s17;
	[tilespmem:s16+$0x8060] =	vst.add.f32.msk $0xffff, v0;
	s16 =	sshra.s32 s19, $0x2  }
0x9b: {  	v0 =	vld [tilespmem:s16+$0x70];
	p1 =	slt.u32 s17, $0x38  }
0x9c: {  	v1 =	vld [tilespmem:s16+$0x0]  }
0x9d: {  	v2 =	vld [tilespmem:s16+$0x10]  }
0x9e: {  	v3 =	vld [tilespmem:s16+$0x20]  }
0x9f: {  	v4 =	vld [tilespmem:s16+$0x30]  }
0xa0: {  	[tilespmem:s16+$0x8070] =	vst.add.f32.msk $0xffff, v0  }
0xa1: {  	v5 =	vld [tilespmem:s16+$0x40]  }
0xa2: {  	v6 =	vld [tilespmem:s16+$0x50]  }
0xa3: {  	v0 =	vld [tilespmem:s16+$0x60]  }
0xa4: {  	[tilespmem:s16+$0x8000] =	vst.add.f32.msk $0xffff, v1  }
.Ltmp4:
0xa5: {  	[tilespmem:s16+$0x8010] =	vst.add.f32.msk $0xffff, v2;
	(pc) =	sbr.rel @p1 .LBB2_12-.Ltmp4, $4  }
0xa6: {  	[tilespmem:s16+$0x8020] =	vst.add.f32.msk $0xffff, v3  }
0xa7: {  	[tilespmem:s16+$0x8030] =	vst.add.f32.msk $0xffff, v4  }
0xa8: {  	[tilespmem:s16+$0x8040] =	vst.add.f32.msk $0xffff, v5  }
0xa9: {  	s19 =	sadd.s32 $0x1000, s19;
	[tilespmem:s16+$0x8050] =	vst.add.f32.msk $0xffff, v6  }
0xaa: {  	s7 =	sadd.s32 $0x1, s7  }
0xab: {  	p1 =	sne.s32 s7, $0x8  }
.Ltmp5:
0xac: {  	_ = 	snop;
	(pc) =	sbr.rel @p1 .LBB2_11-.Ltmp5, $2  }
0xad: {  	_ =	sdelay $0x2  }
0xae: {  	[tilespmem:s16+$0x8060] =	vst.add.f32.msk $0xffff, v0;
	s6 =	sadd.s32 $0x200, s6  }
0xaf: {  	s6 =	rddreg [dreg:$0xc]  }
0xb0: {  	s7 =	simm.s32 $0x8000;
	s6 =	sadd.s32 s2, s6  }
0xb1: {  	[hbm4b:s6+s5] =	stream.linear.scatter [tilespmem:s7], [sflag:$0xD], $0x2000, $0x38;
	[tilespmem:$0x14000] =	vst v63  }
0xb2: {  	s6 =	simm.s32 @!p0 $0x11  }
0xb3: {  	_ =	swait.ge @!p0 [sflag:s6], $0x2000  }
0xb4: {  	[sflag:s6] =	ssyncset.done @!p0 $0x0  }
0xb5: {  	s19 =	sadd.s32 s25, s12;
	[sflag:s6] =	ssyncadd.s32 @!p0 $0xFFFFE000;
	s6 =	simm.s32 $0x0  }
0xb6: {  	[tilespmem:s8], [sflag:$0x9] =	stream.linear.gather [hbm4b:s19+s6], $0x2000, $0x38;
	[tilespmem:$0x14000] =	vst v63  }
0xb7: {  	_ =	swait.ge [sflag:s9], $0x2000  }
0xb8: {  	[sflag:s9] =	ssyncset.done $0x0  }
0xb9: {  	s7 =	simm.s32 $0x0;
	[sflag:s9] =	ssyncadd.s32 $0xFFFFE000  }
.LBB2_15:
0xba: {  	s16 =	sshra.s32 s6, $0x2  }
0xbb: {  	v0 =	vld [tilespmem:s16+$0x70]  }
0xbc: {  	v1 =	vld [tilespmem:s16+$0x0]  }
0xbd: {  	v2 =	vld [tilespmem:s16+$0x10]  }
0xbe: {  	v3 =	vld [tilespmem:s16+$0x20]  }
0xbf: {  	v4 =	vld [tilespmem:s16+$0x30]  }
0xc0: {  	v5 =	vld [tilespmem:s16+$0x40]  }
0xc1: {  	v6 =	vld [tilespmem:s16+$0x50]  }
0xc2: {  	[tilespmem:s16+$0xA070] =	vst.add.f32.msk $0xffff, v0  }
0xc3: {  	v0 =	vld [tilespmem:s16+$0x60]  }
0xc4: {  	[tilespmem:s16+$0xA000] =	vst.add.f32.msk $0xffff, v1  }
0xc5: {  	[tilespmem:s16+$0xA010] =	vst.add.f32.msk $0xffff, v2  }
0xc6: {  	[tilespmem:s16+$0xA020] =	vst.add.f32.msk $0xffff, v3  }
0xc7: {  	[tilespmem:s16+$0xA030] =	vst.add.f32.msk $0xffff, v4  }
0xc8: {  	[tilespmem:s16+$0xA040] =	vst.add.f32.msk $0xffff, v5  }
0xc9: {  	s17 =	simm.s32 $0x0;
	s19 =	sadd.s32 $0x1000, s6;
	[tilespmem:s16+$0xA050] =	vst.add.f32.msk $0xffff, v6  }
.LBB2_16:
0xca: {  	s17 =	sadd.s32 $0x8, s17;
	[tilespmem:s16+$0xA060] =	vst.add.f32.msk $0xffff, v0;
	s16 =	sshra.s32 s19, $0x2  }
0xcb: {  	v0 =	vld [tilespmem:s16+$0x70];
	p1 =	slt.u32 s17, $0x38  }
0xcc: {  	v1 =	vld [tilespmem:s16+$0x0]  }
0xcd: {  	v2 =	vld [tilespmem:s16+$0x10]  }
0xce: {  	v3 =	vld [tilespmem:s16+$0x20]  }
0xcf: {  	v4 =	vld [tilespmem:s16+$0x30]  }
0xd0: {  	[tilespmem:s16+$0xA070] =	vst.add.f32.msk $0xffff, v0  }
0xd1: {  	v5 =	vld [tilespmem:s16+$0x40]  }
0xd2: {  	v6 =	vld [tilespmem:s16+$0x50]  }
0xd3: {  	v0 =	vld [tilespmem:s16+$0x60]  }
0xd4: {  	[tilespmem:s16+$0xA000] =	vst.add.f32.msk $0xffff, v1  }
.Ltmp6:
0xd5: {  	[tilespmem:s16+$0xA010] =	vst.add.f32.msk $0xffff, v2;
	(pc) =	sbr.rel @p1 .LBB2_16-.Ltmp6, $4  }
0xd6: {  	[tilespmem:s16+$0xA020] =	vst.add.f32.msk $0xffff, v3  }
0xd7: {  	[tilespmem:s16+$0xA030] =	vst.add.f32.msk $0xffff, v4  }
0xd8: {  	[tilespmem:s16+$0xA040] =	vst.add.f32.msk $0xffff, v5  }
0xd9: {  	s19 =	sadd.s32 $0x1000, s19;
	[tilespmem:s16+$0xA050] =	vst.add.f32.msk $0xffff, v6  }
0xda: {  	s7 =	sadd.s32 $0x1, s7  }
0xdb: {  	p1 =	sne.s32 s7, $0x8  }
.Ltmp7:
0xdc: {  	_ = 	snop;
	(pc) =	sbr.rel @p1 .LBB2_15-.Ltmp7, $2  }
0xdd: {  	_ =	sdelay $0x2  }
0xde: {  	[tilespmem:s16+$0xA060] =	vst.add.f32.msk $0xffff, v0;
	s6 =	sadd.s32 $0x200, s6  }
0xdf: {  	s2 =	sadd.s32 s2, s18;
	s6 =	simm.s32 $0xA000  }
0xe0: {  	[hbm4b:s2+s5] =	stream.linear.scatter [tilespmem:s6], [sflag:$0xE], $0x2000, $0x38;
	[tilespmem:$0x14000] =	vst v63  }
0xe1: {  	s2 =	simm.s32 @!p0 $0x12  }
0xe2: {  	_ =	swait.ge @!p0 [sflag:s2], $0x2000  }
0xe3: {  	[sflag:s2] =	ssyncset.done @!p0 $0x0  }
0xe4: {  	s25 =	sadd.s32 s25, s13;
	[sflag:s2] =	ssyncadd.s32 @!p0 $0xFFFFE000  }
0xe5: {  	[tilespmem:s11], [sflag:$0xA] =	stream.linear.gather [hbm4b:s25+s5], $0x2000, $0x38;
	[tilespmem:$0x14000] =	vst v63  }
0xe6: {  	s1 =	sor.u32 $0x1, s1;
	_ =	swait.ge [sflag:s14], $0x2000  }
0xe7: {  	p0 =	sgt.u32 s1, $0x1E;
	s2 =	rddreg [dreg:$0xd]  }
0xe8: {  	s2 =	sadd.s32 @!p0 s24, s2  }
0xe9: {  	[sflag:s14] =	ssyncset.done $0x0;
	s24 =	sshll.u32 @!p0 s2, $0x7  }
0xea: {  	s6 =	simm.s32 @!p0 $0x0;
	[sflag:s14] =	ssyncadd.s32 $0xFFFFE000;
	s2 =	sadd.s32 @!p0 s30, s24  }
0xeb: {  	[tilespmem:s6], [sflag:$0x1] =	stream.linear.gather @!p0 [hbm4b:s2+s6], $0x2000, $0x38;
	[tilespmem:$0x14000] =	vst v63  }
0xec: {  	_ =	swait.ge [sflag:s15], $0x2000  }
0xed: {  	[sflag:s15] =	ssyncset.done $0x0  }
0xee: {  	s2 =	simm.s32 $0x0;
	s6 =	simm.s32 $0x0;
	[sflag:s15] =	ssyncadd.s32 $0xFFFFE000  }
.LBB2_19:
0xef: {  	s7 =	sshra.s32 s2, $0x2  }
0xf0: {  	v0 =	vld [tilespmem:s7+$0x2070]  }
0xf1: {  	v1 =	vld [tilespmem:s7+$0x2000]  }
0xf2: {  	v2 =	vld [tilespmem:s7+$0x2010]  }
0xf3: {  	v3 =	vld [tilespmem:s7+$0x2020]  }
0xf4: {  	v4 =	vld [tilespmem:s7+$0x2030]  }
0xf5: {  	v5 =	vld [tilespmem:s7+$0x2040]  }
0xf6: {  	v6 =	vld [tilespmem:s7+$0x2050]  }
0xf7: {  	[tilespmem:s7+$0xC070] =	vst.add.f32.msk $0xffff, v0  }
0xf8: {  	v0 =	vld [tilespmem:s7+$0x2060]  }
0xf9: {  	[tilespmem:s7+$0xC000] =	vst.add.f32.msk $0xffff, v1  }
0xfa: {  	[tilespmem:s7+$0xC010] =	vst.add.f32.msk $0xffff, v2  }
0xfb: {  	[tilespmem:s7+$0xC020] =	vst.add.f32.msk $0xffff, v3  }
0xfc: {  	[tilespmem:s7+$0xC030] =	vst.add.f32.msk $0xffff, v4  }
0xfd: {  	[tilespmem:s7+$0xC040] =	vst.add.f32.msk $0xffff, v5  }
0xfe: {  	s16 =	simm.s32 $0x0;
	s17 =	sadd.s32 $0x1000, s2;
	[tilespmem:s7+$0xC050] =	vst.add.f32.msk $0xffff, v6  }
.LBB2_20:
0xff: {  	s16 =	sadd.s32 $0x8, s16;
	[tilespmem:s7+$0xC060] =	vst.add.f32.msk $0xffff, v0;
	s7 =	sshra.s32 s17, $0x2  }
0x100: {  	v0 =	vld [tilespmem:s7+$0x2070];
	p1 =	slt.u32 s16, $0x38  }
0x101: {  	v1 =	vld [tilespmem:s7+$0x2000]  }
0x102: {  	v2 =	vld [tilespmem:s7+$0x2010]  }
0x103: {  	v3 =	vld [tilespmem:s7+$0x2020]  }
0x104: {  	v4 =	vld [tilespmem:s7+$0x2030]  }
0x105: {  	[tilespmem:s7+$0xC070] =	vst.add.f32.msk $0xffff, v0  }
0x106: {  	v5 =	vld [tilespmem:s7+$0x2040]  }
0x107: {  	v6 =	vld [tilespmem:s7+$0x2050]  }
0x108: {  	v0 =	vld [tilespmem:s7+$0x2060]  }
0x109: {  	[tilespmem:s7+$0xC000] =	vst.add.f32.msk $0xffff, v1  }
.Ltmp8:
0x10a: {  	[tilespmem:s7+$0xC010] =	vst.add.f32.msk $0xffff, v2;
	(pc) =	sbr.rel @p1 .LBB2_20-.Ltmp8, $4  }
0x10b: {  	[tilespmem:s7+$0xC020] =	vst.add.f32.msk $0xffff, v3  }
0x10c: {  	[tilespmem:s7+$0xC030] =	vst.add.f32.msk $0xffff, v4  }
0x10d: {  	[tilespmem:s7+$0xC040] =	vst.add.f32.msk $0xffff, v5  }
0x10e: {  	s17 =	sadd.s32 $0x1000, s17;
	[tilespmem:s7+$0xC050] =	vst.add.f32.msk $0xffff, v6  }
0x10f: {  	s6 =	sadd.s32 $0x1, s6  }
0x110: {  	p1 =	sne.s32 s6, $0x8  }
.Ltmp9:
0x111: {  	_ = 	snop;
	(pc) =	sbr.rel @p1 .LBB2_19-.Ltmp9, $2  }
0x112: {  	_ =	sdelay $0x2  }
0x113: {  	[tilespmem:s7+$0xC060] =	vst.add.f32.msk $0xffff, v0;
	s2 =	sadd.s32 $0x200, s2  }
0x114: {  	s2 =	rddreg [dreg:$0xe]  }
0x115: {  	s1 =	sor.u32 s2, s1  }
0x116: {  	s25 =	sshll.u32 s1, $0xA  }
0x117: {  	s19 =	simm.s32 $0xC000;
	s1 =	sadd.s32 s4, s25  }
0x118: {  	[hbm4b:s1+s5] =	stream.linear.scatter [tilespmem:s19], [sflag:$0xF], $0x2000, $0x38;
	[tilespmem:$0x14000] =	vst v63  }
0x119: {  	s1 =	simm.s32 @!p0 $0xB  }
0x11a: {  	_ =	swait.ge @!p0 [sflag:s1], $0x2000  }
0x11b: {  	s6 =	simm.s32 @!p0 $0x4000;
	[sflag:s1] =	ssyncset.done @!p0 $0x0  }
0x11c: {  	s2 =	simm.s32 @!p0 $0x0;
	[sflag:s1] =	ssyncadd.s32 @!p0 $0xFFFFE000;
	s1 =	sadd.s32 @!p0 s20, s24  }
0x11d: {  	[tilespmem:s6], [sflag:$0x3] =	stream.linear.gather @!p0 [hbm4b:s1+s2], $0x2000, $0x38;
	[tilespmem:$0x14000] =	vst v63  }
0x11e: {  	_ =	swait.ge [sflag:s21], $0x2000  }
0x11f: {  	s17 =	smov.u32 s20;
	[sflag:s21] =	ssyncset.done $0x0  }
0x120: {  	s1 =	simm.s32 $0x0;
	s2 =	simm.s32 $0x0;
	[sflag:s21] =	ssyncadd.s32 $0xFFFFE000  }
.LBB2_23:
0x121: {  	s6 =	sshra.s32 s1, $0x2  }
0x122: {  	v0 =	vld [tilespmem:s6+$0x2070]  }
0x123: {  	v1 =	vld [tilespmem:s6+$0x2000]  }
0x124: {  	v2 =	vld [tilespmem:s6+$0x2010]  }
0x125: {  	v3 =	vld [tilespmem:s6+$0x2020]  }
0x126: {  	v4 =	vld [tilespmem:s6+$0x2030]  }
0x127: {  	v5 =	vld [tilespmem:s6+$0x2040]  }
0x128: {  	v6 =	vld [tilespmem:s6+$0x2050]  }
0x129: {  	[tilespmem:s6+$0xE070] =	vst.add.f32.msk $0xffff, v0  }
0x12a: {  	v0 =	vld [tilespmem:s6+$0x2060]  }
0x12b: {  	[tilespmem:s6+$0xE000] =	vst.add.f32.msk $0xffff, v1  }
0x12c: {  	[tilespmem:s6+$0xE010] =	vst.add.f32.msk $0xffff, v2  }
0x12d: {  	[tilespmem:s6+$0xE020] =	vst.add.f32.msk $0xffff, v3  }
0x12e: {  	[tilespmem:s6+$0xE030] =	vst.add.f32.msk $0xffff, v4  }
0x12f: {  	[tilespmem:s6+$0xE040] =	vst.add.f32.msk $0xffff, v5  }
0x130: {  	s7 =	simm.s32 $0x0;
	s16 =	sadd.s32 $0x1000, s1;
	[tilespmem:s6+$0xE050] =	vst.add.f32.msk $0xffff, v6  }
.LBB2_24:
0x131: {  	s7 =	sadd.s32 $0x8, s7;
	[tilespmem:s6+$0xE060] =	vst.add.f32.msk $0xffff, v0;
	s6 =	sshra.s32 s16, $0x2  }
0x132: {  	v0 =	vld [tilespmem:s6+$0x2070];
	p1 =	slt.u32 s7, $0x38  }
0x133: {  	v1 =	vld [tilespmem:s6+$0x2000]  }
0x134: {  	v2 =	vld [tilespmem:s6+$0x2010]  }
0x135: {  	v3 =	vld [tilespmem:s6+$0x2020]  }
0x136: {  	v4 =	vld [tilespmem:s6+$0x2030]  }
0x137: {  	[tilespmem:s6+$0xE070] =	vst.add.f32.msk $0xffff, v0  }
0x138: {  	v5 =	vld [tilespmem:s6+$0x2040]  }
0x139: {  	v6 =	vld [tilespmem:s6+$0x2050]  }
0x13a: {  	v0 =	vld [tilespmem:s6+$0x2060]  }
0x13b: {  	[tilespmem:s6+$0xE000] =	vst.add.f32.msk $0xffff, v1  }
.Ltmp10:
0x13c: {  	[tilespmem:s6+$0xE010] =	vst.add.f32.msk $0xffff, v2;
	(pc) =	sbr.rel @p1 .LBB2_24-.Ltmp10, $4  }
0x13d: {  	[tilespmem:s6+$0xE020] =	vst.add.f32.msk $0xffff, v3  }
0x13e: {  	[tilespmem:s6+$0xE030] =	vst.add.f32.msk $0xffff, v4  }
0x13f: {  	[tilespmem:s6+$0xE040] =	vst.add.f32.msk $0xffff, v5  }
0x140: {  	s16 =	sadd.s32 $0x1000, s16;
	[tilespmem:s6+$0xE050] =	vst.add.f32.msk $0xffff, v6  }
0x141: {  	s2 =	sadd.s32 $0x1, s2  }
0x142: {  	p1 =	sne.s32 s2, $0x8  }
.Ltmp11:
0x143: {  	_ = 	snop;
	(pc) =	sbr.rel @p1 .LBB2_23-.Ltmp11, $2  }
0x144: {  	_ =	sdelay $0x2  }
0x145: {  	[tilespmem:s6+$0xE060] =	vst.add.f32.msk $0xffff, v0;
	s1 =	sadd.s32 $0x200, s1  }
0x146: {  	s1 =	sor.u32 $0x100000, s25  }
0x147: {  	s1 =	sadd.s32 s4, s1  }
0x148: {  	[hbm4b:s1+s5] =	stream.linear.scatter [tilespmem:s0], [sflag:$0x10], $0x2000, $0x38;
	[tilespmem:$0x14000] =	vst v63  }
0x149: {  	s1 =	simm.s32 @!p0 $0xC  }
0x14a: {  	_ =	swait.ge @!p0 [sflag:s1], $0x2000  }
0x14b: {  	s2 =	simm.s32 @!p0 $0x0;
	[sflag:s1] =	ssyncset.done @!p0 $0x0  }
0x14c: {  	s6 =	simm.s32 @!p0 $0x6000;
	[sflag:s1] =	ssyncadd.s32 @!p0 $0xFFFFE000;
	s1 =	sadd.s32 @!p0 s24, s10  }
0x14d: {  	[tilespmem:s6], [sflag:$0x4] =	stream.linear.gather @!p0 [hbm4b:s1+s2], $0x2000, $0x38;
	[tilespmem:$0x14000] =	vst v63  }
0x14e: {  	_ =	swait.ge [sflag:s28], $0x2000  }
0x14f: {  	[sflag:s28] =	ssyncset.done $0x0  }
0x150: {  	s1 =	simm.s32 $0x0;
	s2 =	simm.s32 $0x0;
	[sflag:s28] =	ssyncadd.s32 $0xFFFFE000  }
.LBB2_27:
0x151: {  	s6 =	sshra.s32 s1, $0x2  }
0x152: {  	v0 =	vld [tilespmem:s6+$0x2070]  }
0x153: {  	v1 =	vld [tilespmem:s6+$0x2000]  }
0x154: {  	v2 =	vld [tilespmem:s6+$0x2010]  }
0x155: {  	v3 =	vld [tilespmem:s6+$0x2020]  }
0x156: {  	v4 =	vld [tilespmem:s6+$0x2030]  }
0x157: {  	v5 =	vld [tilespmem:s6+$0x2040]  }
0x158: {  	v6 =	vld [tilespmem:s6+$0x2050]  }
0x159: {  	[tilespmem:s6+$0x10070] =	vst.add.f32.msk $0xffff, v0  }
0x15a: {  	v0 =	vld [tilespmem:s6+$0x2060]  }
0x15b: {  	[tilespmem:s6+$0x10000] =	vst.add.f32.msk $0xffff, v1  }
0x15c: {  	[tilespmem:s6+$0x10010] =	vst.add.f32.msk $0xffff, v2  }
0x15d: {  	[tilespmem:s6+$0x10020] =	vst.add.f32.msk $0xffff, v3  }
0x15e: {  	[tilespmem:s6+$0x10030] =	vst.add.f32.msk $0xffff, v4  }
0x15f: {  	[tilespmem:s6+$0x10040] =	vst.add.f32.msk $0xffff, v5  }
0x160: {  	s7 =	simm.s32 $0x0;
	s16 =	sadd.s32 $0x1000, s1;
	[tilespmem:s6+$0x10050] =	vst.add.f32.msk $0xffff, v6  }
.LBB2_28:
0x161: {  	s7 =	sadd.s32 $0x8, s7;
	[tilespmem:s6+$0x10060] =	vst.add.f32.msk $0xffff, v0;
	s6 =	sshra.s32 s16, $0x2  }
0x162: {  	v0 =	vld [tilespmem:s6+$0x2070];
	p1 =	slt.u32 s7, $0x38  }
0x163: {  	v1 =	vld [tilespmem:s6+$0x2000]  }
0x164: {  	v2 =	vld [tilespmem:s6+$0x2010]  }
0x165: {  	v3 =	vld [tilespmem:s6+$0x2020]  }
0x166: {  	v4 =	vld [tilespmem:s6+$0x2030]  }
0x167: {  	[tilespmem:s6+$0x10070] =	vst.add.f32.msk $0xffff, v0  }
0x168: {  	v5 =	vld [tilespmem:s6+$0x2040]  }
0x169: {  	v6 =	vld [tilespmem:s6+$0x2050]  }
0x16a: {  	v0 =	vld [tilespmem:s6+$0x2060]  }
0x16b: {  	[tilespmem:s6+$0x10000] =	vst.add.f32.msk $0xffff, v1  }
.Ltmp12:
0x16c: {  	[tilespmem:s6+$0x10010] =	vst.add.f32.msk $0xffff, v2;
	(pc) =	sbr.rel @p1 .LBB2_28-.Ltmp12, $4  }
0x16d: {  	[tilespmem:s6+$0x10020] =	vst.add.f32.msk $0xffff, v3  }
0x16e: {  	[tilespmem:s6+$0x10030] =	vst.add.f32.msk $0xffff, v4  }
0x16f: {  	[tilespmem:s6+$0x10040] =	vst.add.f32.msk $0xffff, v5  }
0x170: {  	s16 =	sadd.s32 $0x1000, s16;
	[tilespmem:s6+$0x10050] =	vst.add.f32.msk $0xffff, v6  }
0x171: {  	s2 =	sadd.s32 $0x1, s2  }
0x172: {  	p1 =	sne.s32 s2, $0x8  }
.Ltmp13:
0x173: {  	_ = 	snop;
	(pc) =	sbr.rel @p1 .LBB2_27-.Ltmp13, $2  }
0x174: {  	_ =	sdelay $0x2  }
0x175: {  	[tilespmem:s6+$0x10060] =	vst.add.f32.msk $0xffff, v0;
	s1 =	sadd.s32 $0x200, s1  }
0x176: {  	s1 =	sor.u32 $0x200000, s25  }
0x177: {  	s1 =	sadd.s32 s4, s1  }
0x178: {  	[hbm4b:s1+s5] =	stream.linear.scatter [tilespmem:s8], [sflag:$0x11], $0x2000, $0x38;
	[tilespmem:$0x14000] =	vst v63  }
0x179: {  	s1 =	simm.s32 @!p0 $0xD  }
0x17a: {  	_ =	swait.ge @!p0 [sflag:s1], $0x2000  }
0x17b: {  	s2 =	simm.s32 @!p0 $0x0;
	[sflag:s1] =	ssyncset.done @!p0 $0x0  }
0x17c: {  	s6 =	simm.s32 @!p0 $0x8000;
	[sflag:s1] =	ssyncadd.s32 @!p0 $0xFFFFE000;
	s1 =	sadd.s32 @!p0 s24, s12  }
0x17d: {  	[tilespmem:s6], [sflag:$0x5] =	stream.linear.gather @!p0 [hbm4b:s1+s2], $0x2000, $0x38;
	[tilespmem:$0x14000] =	vst v63  }
0x17e: {  	_ =	swait.ge [sflag:s22], $0x2000  }
0x17f: {  	[sflag:s22] =	ssyncset.done $0x0  }
0x180: {  	s1 =	simm.s32 $0x0;
	s2 =	simm.s32 $0x0;
	[sflag:s22] =	ssyncadd.s32 $0xFFFFE000  }
.LBB2_31:
0x181: {  	s6 =	sshra.s32 s1, $0x2  }
0x182: {  	v0 =	vld [tilespmem:s6+$0x2070]  }
0x183: {  	v1 =	vld [tilespmem:s6+$0x2000]  }
0x184: {  	v2 =	vld [tilespmem:s6+$0x2010]  }
0x185: {  	v3 =	vld [tilespmem:s6+$0x2020]  }
0x186: {  	v4 =	vld [tilespmem:s6+$0x2030]  }
0x187: {  	v5 =	vld [tilespmem:s6+$0x2040]  }
0x188: {  	v6 =	vld [tilespmem:s6+$0x2050]  }
0x189: {  	[tilespmem:s6+$0x12070] =	vst.add.f32.msk $0xffff, v0  }
0x18a: {  	v0 =	vld [tilespmem:s6+$0x2060]  }
0x18b: {  	[tilespmem:s6+$0x12000] =	vst.add.f32.msk $0xffff, v1  }
0x18c: {  	[tilespmem:s6+$0x12010] =	vst.add.f32.msk $0xffff, v2  }
0x18d: {  	[tilespmem:s6+$0x12020] =	vst.add.f32.msk $0xffff, v3  }
0x18e: {  	[tilespmem:s6+$0x12030] =	vst.add.f32.msk $0xffff, v4  }
0x18f: {  	[tilespmem:s6+$0x12040] =	vst.add.f32.msk $0xffff, v5  }
0x190: {  	s7 =	simm.s32 $0x0;
	s16 =	sadd.s32 $0x1000, s1;
	[tilespmem:s6+$0x12050] =	vst.add.f32.msk $0xffff, v6  }
.LBB2_32:
0x191: {  	s7 =	sadd.s32 $0x8, s7;
	[tilespmem:s6+$0x12060] =	vst.add.f32.msk $0xffff, v0;
	s6 =	sshra.s32 s16, $0x2  }
0x192: {  	v0 =	vld [tilespmem:s6+$0x2070];
	p1 =	slt.u32 s7, $0x38  }
0x193: {  	v1 =	vld [tilespmem:s6+$0x2000]  }
0x194: {  	v2 =	vld [tilespmem:s6+$0x2010]  }
0x195: {  	v3 =	vld [tilespmem:s6+$0x2020]  }
0x196: {  	v4 =	vld [tilespmem:s6+$0x2030]  }
0x197: {  	[tilespmem:s6+$0x12070] =	vst.add.f32.msk $0xffff, v0  }
0x198: {  	v5 =	vld [tilespmem:s6+$0x2040]  }
0x199: {  	v6 =	vld [tilespmem:s6+$0x2050]  }
0x19a: {  	v0 =	vld [tilespmem:s6+$0x2060]  }
0x19b: {  	[tilespmem:s6+$0x12000] =	vst.add.f32.msk $0xffff, v1  }
.Ltmp14:
0x19c: {  	[tilespmem:s6+$0x12010] =	vst.add.f32.msk $0xffff, v2;
	(pc) =	sbr.rel @p1 .LBB2_32-.Ltmp14, $4  }
0x19d: {  	[tilespmem:s6+$0x12020] =	vst.add.f32.msk $0xffff, v3  }
0x19e: {  	[tilespmem:s6+$0x12030] =	vst.add.f32.msk $0xffff, v4  }
0x19f: {  	[tilespmem:s6+$0x12040] =	vst.add.f32.msk $0xffff, v5  }
0x1a0: {  	s16 =	sadd.s32 $0x1000, s16;
	[tilespmem:s6+$0x12050] =	vst.add.f32.msk $0xffff, v6  }
0x1a1: {  	s2 =	sadd.s32 $0x1, s2  }
0x1a2: {  	p1 =	sne.s32 s2, $0x8  }
.Ltmp15:
0x1a3: {  	_ = 	snop;
	(pc) =	sbr.rel @p1 .LBB2_31-.Ltmp15, $2  }
0x1a4: {  	_ =	sdelay $0x2  }
0x1a5: {  	[tilespmem:s6+$0x12060] =	vst.add.f32.msk $0xffff, v0;
	s1 =	sadd.s32 $0x200, s1  }
0x1a6: {  	s1 =	sadd.s32 s25, s18  }
0x1a7: {  	[hbm4b:s1+s5] =	stream.linear.scatter [tilespmem:s11], [sflag:$0x12], $0x2000, $0x38;
	[tilespmem:$0x14000] =	vst v63  }
0x1a8: {  	s1 =	simm.s32 @!p0 $0xE  }
0x1a9: {  	_ =	swait.ge @!p0 [sflag:s1], $0x2000  }
0x1aa: {  	s2 =	simm.s32 @!p0 $0x0;
	s6 =	simm.s32 @!p0 $0xA000;
	[sflag:s1] =	ssyncset.done @!p0 $0x0  }
0x1ab: {  	s23 =	sadd.s32 $0x1, s23;
	[sflag:s1] =	ssyncadd.s32 @!p0 $0xFFFFE000;
	s1 =	sadd.s32 @!p0 s24, s13  }
0x1ac: {  	[tilespmem:s6], [sflag:$0x6] =	stream.linear.gather @!p0 [hbm4b:s1+s2], $0x2000, $0x38;
	[tilespmem:$0x14000] =	vst v63  }
0x1ad: {  	p0 =	sne.s32 s23, $0x10  }
.Ltmp16:
0x1ae: {  	_ = 	snop;
	(pc) =	sbr.rel @p0 .LBB2_2-.Ltmp16, $1  }
0x1af: {  	_ =	sdelay $0x3  }
0x1b0: {  	s1 =	simm.s32 $0xB  }
0x1b1: {  	_ =	swait.ge [sflag:s1], $0x2000  }
0x1b2: {  	[sflag:s1] =	ssyncset.done $0x0  }
0x1b3: {  	s7 =	simm.s32 $0xF;
	[sflag:s1] =	ssyncadd.s32 $0xFFFFE000  }
0x1b4: {  	_ =	swait.ge [sflag:s7], $0x2000  }
0x1b5: {  	[sflag:s7] =	ssyncset.done $0x0  }
0x1b6: {  	s16 =	simm.s32 $0xC;
	[sflag:s7] =	ssyncadd.s32 $0xFFFFE000  }
0x1b7: {  	_ =	swait.ge [sflag:s16], $0x2000  }
0x1b8: {  	[sflag:s16] =	ssyncset.done $0x0  }
0x1b9: {  	s19 =	simm.s32 $0x10;
	[sflag:s16] =	ssyncadd.s32 $0xFFFFE000  }
0x1ba: {  	_ =	swait.ge [sflag:s19], $0x2000  }
0x1bb: {  	[sflag:s19] =	ssyncset.done $0x0  }
0x1bc: {  	s20 =	simm.s32 $0xD;
	[sflag:s19] =	ssyncadd.s32 $0xFFFFE000  }
0x1bd: {  	_ =	swait.ge [sflag:s20], $0x2000  }
0x1be: {  	[sflag:s20] =	ssyncset.done $0x0  }
0x1bf: {  	s23 =	simm.s32 $0x11;
	[sflag:s20] =	ssyncadd.s32 $0xFFFFE000  }
0x1c0: {  	_ =	swait.ge [sflag:s23], $0x2000  }
0x1c1: {  	[sflag:s23] =	ssyncset.done $0x0  }
0x1c2: {  	s24 =	simm.s32 $0xE;
	[sflag:s23] =	ssyncadd.s32 $0xFFFFE000  }
0x1c3: {  	_ =	swait.ge [sflag:s24], $0x2000  }
0x1c4: {  	[sflag:s24] =	ssyncset.done $0x0  }
0x1c5: {  	s2 =	simm.s32 $0x12;
	[sflag:s24] =	ssyncadd.s32 $0xFFFFE000  }
0x1c6: {  	_ =	swait.ge [sflag:s2], $0x2000  }
0x1c7: {  	s6 =	rddreg [dreg:$0x10]  }
0x1c8: {  	s25 =	rddreg [dreg:$0xf];
	s6 =	sadd.s32 $0x1, s6  }
0x1c9: {  	p0 =	sne.s32 s6, s25  }
.Ltmp17:
0x1ca: {  	_ = 	snop;
	(pc) =	sbr.rel @p0 .LBB2_1-.Ltmp17, $3  }
0x1cb: {  	_ =	sdelay $0x1  }
0x1cc: {  	[sflag:s2] =	ssyncset.done $0x0  }
0x1cd: {  	[sflag:s2] =	ssyncadd.s32 $0xFFFFE000  }
0x1ce: {  	_ =	sfence.sel $0x180000  }
0x1cf: {  	[bflag:$0x0] =	sbarrier.arrive $0xFFFF  }
0x1d0: {  	_ =	strace $0x90000047  }
0x1d1: {  	s0 =	stileid.u32;
	[bflag:$0x2] =	sbarrier.arrive $0xFFFF  }
0x1d2: {  	p0 =	sne.s32 s0, $0x0;
	s0 =	rddreg [dreg:$0x3]  }
0x1d3: {  	s0 =	sadd.s32 @!p0 $0x100000, s0  }
0x1d4: {  	[sflag:s0] =	ssyncadd.tile.s32 @!p0 $0x1;
	_ =	shalt  }
.Lfunc_end2:
_tile_overlayer_lowered:
.L_overlay_start_2:
0x1d5: {  	(tag) =	ssettag $0x2  }
0x1d6: {  	s0 =	rddreg [dreg:$0x0];
	s2 =	stileid.u32  }
0x1d7: {  	s1 =	rddreg [dreg:$0x1];
	p0 =	sne.s32 s2, $0x0  }
0x1d8: {  	s3 =	rddreg [dreg:$0x2];
	[bflag:$0x3] =	sbarrier.arrive $0xFFFF;
	s2 =	simm.s32 @!p0 $0x1C13  }
0x1d9: {  	[timem:s3], [sflag:s2] =	dma.local @!p0 [hbm:s0], s1  }
0x1da: {  	s0 =	simm.s32 @!p0 $0x13  }
0x1db: {  	_ =	swait.ge @!p0 [sflag:s0], s1  }
0x1dc: {  	s1 =	ssub.s32 @!p0 $0x0, s1;
	[sflag:s0] =	ssyncset.done @!p0 $0x0  }
0x1dd: {  	[sflag:s0] =	ssyncadd.s32 @!p0 s1  }
0x1de: {  	[bflag:$0x3] =	sbarrier.arrive $0xFFFF  }
0x1df: {  	_ =	shalt  }

</sc_bundles>
